<compile_context>
chip_gen: v7x
topology: tpu7x:2x2x1
jax: 0.10.2.dev20260603
libtpu: 0.0.44.dev20260713+nightly
codegen_flags: <defaults>
</compile_context>

<pallas_src>
import functools

import jax
import jax.numpy as jnp
from jax.experimental import pallas as pl
from jax.experimental.pallas import tpu as pltpu
from jax.experimental.pallas import tpu_sc as plsc

_N = 16384
_M = 4096
_D = 64
_K = 3
_BLK = 256
_CBLK = 512

_NC = 2
_NS = 16
_NW = _NC * _NS
_BPW = (_K * _N) // _NW
_CH = 256


def _select_kernel(p_ref, sx_ref, idx_ref, w_ref):
    p = p_ref[...]
    sx = sx_ref[...]
    nn2 = (p[:, 0:1] * p[:, 0:1]
           + p[:, 1:2] * p[:, 1:2]
           + p[:, 2:3] * p[:, 2:3])
    mm2 = (sx[0:1, :] * sx[0:1, :]
           + sx[1:2, :] * sx[1:2, :]
           + sx[2:3, :] * sx[2:3, :])
    dot = jax.lax.dot(p.astype(jnp.bfloat16), sx.astype(jnp.bfloat16),
                      preferred_element_type=jnp.float32)
    d2 = jnp.maximum(nn2 + mm2 - 2.0 * dot, 0.0)

    iota = jax.lax.broadcasted_iota(jnp.int32, (_BLK, _M), 1)
    d = d2
    recips = []
    idxs = []
    for k in range(_K):
        v = jnp.min(d, axis=1, keepdims=True)
        eq = d == v
        idx = jnp.min(jnp.where(eq, iota, _M), axis=1, keepdims=True)
        recips.append(1.0 / (jnp.sqrt(v + 1e-12) + 1e-8))
        idxs.append(idx)
        if k < _K - 1:
            d = jnp.where(iota == idx, jnp.inf, d)
    norm = recips[0] + recips[1] + recips[2]
    lane = jax.lax.broadcasted_iota(jnp.int32, (_BLK, 128), 1)
    idx_ref[...] = jnp.where(lane == 0, idxs[0],
                             jnp.where(lane == 1, idxs[1],
                                       jnp.where(lane == 2, idxs[2], 0)))
    w_ref[...] = jnp.where(lane == 0, recips[0] / norm,
                           jnp.where(lane == 1, recips[1] / norm,
                                     jnp.where(lane == 2, recips[2] / norm,
                                               0.0)))


def _sc_gather(s_feat, idx_flat):
    n_idx = idx_flat.shape[0]
    bpw = n_idx // _NW
    ch = _CH if bpw % _CH == 0 else 128
    assert bpw % ch == 0
    mesh = plsc.VectorSubcoreMesh(core_axis_name="c", subcore_axis_name="s")

    @functools.partial(
        pl.kernel, mesh=mesh,
        out_type=jax.ShapeDtypeStruct((n_idx, 128), jnp.float32),
        scratch_types=[pltpu.VMEM((ch,), jnp.int32),
                       pltpu.VMEM((ch, 128), jnp.float32),
                       pltpu.SemaphoreType.DMA],
    )
    def k(table_hbm, idx_hbm, out_hbm, idx_v, rows_v, sem):
        wid = jax.lax.axis_index("s") * _NC + jax.lax.axis_index("c")
        base = wid * bpw

        @pl.loop(0, bpw // ch)
        def _(c):
            b = base + c * ch
            pltpu.sync_copy(idx_hbm.at[pl.ds(b, ch)], idx_v)
            pltpu.async_copy(table_hbm.at[idx_v], rows_v, sem).wait()
            pltpu.sync_copy(rows_v, out_hbm.at[pl.ds(b, ch)])

    return k(s_feat, idx_flat)


def _combine_kernel(g0_ref, g1_ref, g2_ref, w_ref, out_ref):
    w = w_ref[...]
    out_ref[...] = (w[:, 0:1] * g0_ref[:, :_D]
                    + w[:, 1:2] * g1_ref[:, :_D]
                    + w[:, 2:3] * g2_ref[:, :_D])


_H = 2
_NH = _N // _H


def _half_chain(p_half, sx, sf_pad):
    idx128, w128 = pl.pallas_call(
        _select_kernel,
        grid=(_NH // _BLK,),
        in_specs=[
            pl.BlockSpec((_BLK, 128), lambda i: (i, 0)),
            pl.BlockSpec((128, _M), lambda i: (0, 0)),
        ],
        out_specs=[
            pl.BlockSpec((_BLK, 128), lambda i: (i, 0)),
            pl.BlockSpec((_BLK, 128), lambda i: (i, 0)),
        ],
        out_shape=[
            jax.ShapeDtypeStruct((_NH, 128), jnp.int32),
            jax.ShapeDtypeStruct((_NH, 128), jnp.float32),
        ],
        compiler_params=pltpu.CompilerParams(
            dimension_semantics=("parallel",)),
    )(p_half, sx)

    idx_flat = jnp.concatenate(
        [idx128[:, 0], idx128[:, 1], idx128[:, 2]])
    g = _sc_gather(sf_pad, idx_flat)

    nblk = _NH // _CBLK
    return pl.pallas_call(
        _combine_kernel,
        grid=(nblk,),
        in_specs=[
            pl.BlockSpec((_CBLK, 128), lambda i: (i, 0)),
            pl.BlockSpec((_CBLK, 128), lambda i, n=nblk: (i + n, 0)),
            pl.BlockSpec((_CBLK, 128), lambda i, n=nblk: (i + 2 * n, 0)),
            pl.BlockSpec((_CBLK, 128), lambda i: (i, 0)),
        ],
        out_specs=pl.BlockSpec((_CBLK, _D), lambda i: (i, 0)),
        out_shape=jax.ShapeDtypeStruct((_NH, _D), jnp.float32),
        compiler_params=pltpu.CompilerParams(
            dimension_semantics=("parallel",)),
    )(g, g, g, w128)


@jax.jit
def _feat_propagation(parent_coord, s_coord, s_feat):
    p_pad = jnp.zeros((_N, 128), jnp.float32).at[:, :3].set(parent_coord)
    sx = jnp.zeros((128, _M), jnp.float32).at[:3, :].set(s_coord.T)
    sf_pad = jnp.zeros((_M, 128), jnp.float32).at[:, :_D].set(s_feat)
    outs = [_half_chain(p_pad[h * _NH:(h + 1) * _NH], sx, sf_pad)
            for h in range(_H)]
    return jnp.concatenate(outs, axis=0)


def kernel(parent_coord, parent_offset, s_coord, s_offset, s_feat):
    del parent_offset, s_offset
    return _feat_propagation(parent_coord, s_coord, s_feat)

# --- scband reference (transcript-rebuilt; emitter-appended) ---
"""Pipeline reference for scband-feat-propagation-28973849379043 (READ-ONLY COPY).

The authoritative reference and input builder live on the scoring server;
editing this copy changes nothing except your own understanding.
"""

import jax, jax.numpy as jnp
import numpy as np

N_PARENT = 16384
M_SRC = 4096
D_FEAT = 64
K = 3


def setup_inputs(seed: int = 0) -> dict:
    key = jax.random.key(seed)
    k1, k2, k3 = jax.random.split(key, 3)
    parent_coord = jax.random.uniform(k1, (N_PARENT, 3), dtype=jnp.float32)
    s_coord = jax.random.uniform(k2, (M_SRC, 3), dtype=jnp.float32)
    s_feat = jax.random.normal(k3, (M_SRC, D_FEAT), dtype=jnp.float32)
    parent_offset = jnp.array([N_PARENT], dtype=jnp.int32)
    s_offset = jnp.array([M_SRC], dtype=jnp.int32)
    return {
        'parent_coord': parent_coord,
        'parent_offset': parent_offset,
        's_coord': s_coord,
        's_offset': s_offset,
        's_feat': s_feat,
    }


def _knn_interpolation(xyz, new_xyz, feat, k):
    # squared pairwise distances [N, M] via expansion (avoids [N, M, 3] blowup)
    nn2 = jnp.sum(new_xyz * new_xyz, axis=1, keepdims=True)  # [N, 1]
    mm2 = jnp.sum(xyz * xyz, axis=1)[None, :]                # [1, M]
    d2 = nn2 + mm2 - 2.0 * (new_xyz @ xyz.T)                 # [N, M]
    d2 = jnp.maximum(d2, 0.0)
    neg_d2, idx = jax.lax.top_k(-d2, k)                      # k nearest
    dist = jnp.sqrt(jnp.maximum(-neg_d2, 0.0) + 1e-12)       # [N, k]
    dist_recip = 1.0 / (dist + 1e-8)
    norm = jnp.sum(dist_recip, axis=1, keepdims=True)
    weight = dist_recip / norm                               # [N, k]
    gathered = jnp.take(feat, idx, axis=0)                   # [N, k, D]
    out = jnp.sum(gathered * weight[..., None], axis=1)      # [N, D]
    return out


def reference(parent_coord, parent_offset, s_coord, s_offset, s_feat):
    # Single batch: offsets are [N_total] / [M_total]; interpolation over the
    # full set is equivalent to per-batch interpolation with one segment.
    return _knn_interpolation(s_coord, parent_coord, s_feat, K)

if __name__ == "__main__":
    import jax
    _d = setup_inputs()
    print(jax.jit(kernel)(*tuple(_d.values())))

</pallas_src>

<mosaic_0001>
#map = affine_map<(d0, d1) -> (0, 0)>
#map1 = affine_map<(d0, d1) -> (0)>
module attributes {stable_mosaic.version = 14 : i64} {
  func.func @k(%arg0: i32, %arg1: i32, %arg2: memref<4096x128xf32, #tpu.memory_space<hbm>>, %arg3: memref<24576xi32, #tpu.memory_space<hbm>>, %arg4: memref<24576x128xf32, #tpu.memory_space<hbm>>, %arg5: memref<256xi32, #tpu.memory_space<vmem>>, %arg6: memref<256x128xf32, #tpu.memory_space<vmem>>, %arg7: memref<!tpu.dma_semaphore, #tpu.memory_space<semaphore_mem>>) attributes {dimension_semantics = [#tpu.dimension_semantics<core_parallel>, #tpu.dimension_semantics<subcore_parallel>], iteration_bounds = array<i64: 2, 16>, scalar_prefetch = 0 : i64, scratch_operands = 3 : i64, tpu.core_type = #tpu.core_type<sc_vector_subcore>, window_params = [{transform_indices = #map}, {transform_indices = #map1}, {transform_indices = #map}]} {
    %mul3A = arith.constant 2 : i32
    %mul3A_0 = arith.muli %arg1, %mul3A : i32
    %add3A = arith.addi %mul3A_0, %arg0 : i32
    %mul3A_1 = arith.constant 768 : i32
    %mul3A_2 = arith.muli %add3A, %mul3A_1 : i32
    %scan3A = arith.constant 0 : i32
    %scan3A_3 = arith.constant 3 : i32
    %scan3A_4 = arith.addi %scan3A, %scan3A_3 : i32
    %scan3A_5 = arith.constant 1 : i32
    scf.for %scan3A_7 = %scan3A to %scan3A_4 step %scan3A_5  : i32 {
      %mul3A_8 = arith.constant 1 : i32
      %mul3A_9 = arith.muli %scan3A_7, %mul3A_8 : i32
      %add3A_10 = arith.constant 0 : i32
      %add3A_11 = arith.addi %add3A_10, %mul3A_9 : i32
      %mul3A_12 = arith.constant 256 : i32
      %mul3A_13 = arith.muli %add3A_11, %mul3A_12 : i32
      %add3A_14 = arith.addi %mul3A_2, %mul3A_13 : i32
      "tpu.region"() ({
        %run_scoped3A = tpu.sem_alloc : memref<!tpu.dma_semaphore, #tpu.memory_space<semaphore_mem>>
        %dma_start3A_19 = tpu.memref_slice %arg3[%add3A_14] : memref<24576xi32, #tpu.memory_space<hbm>> -> memref<256xi32, #tpu.memory_space<hbm>>
        %dma_start3A_20 = tpu.memref_slice %arg3[%add3A_14] : memref<24576xi32, #tpu.memory_space<hbm>> -> memref<256xi32, #tpu.memory_space<hbm>>
        tpu.enqueue_dma source(%dma_start3A_20 : memref<256xi32, #tpu.memory_space<hbm>>) target(%arg5 : memref<256xi32, #tpu.memory_space<vmem>>) target_semaphore(%run_scoped3A : memref<!tpu.dma_semaphore, #tpu.memory_space<semaphore_mem>>)
        %dma_wait3A_21 = tpu.memref_slice %arg3[%add3A_14] : memref<24576xi32, #tpu.memory_space<hbm>> -> memref<256xi32, #tpu.memory_space<hbm>>
        %dma_wait3A_22 = tpu.memref_slice %arg3[%add3A_14] : memref<24576xi32, #tpu.memory_space<hbm>> -> memref<256xi32, #tpu.memory_space<hbm>>
        tpu.wait_dma2 semaphore(%run_scoped3A : memref<!tpu.dma_semaphore, #tpu.memory_space<semaphore_mem>>) src(%dma_wait3A_22 : memref<256xi32, #tpu.memory_space<hbm>>) dst(%arg5 : memref<256xi32, #tpu.memory_space<vmem>>)
        tpu.yield
      }) : () -> ()
      %dma_start3A = arith.constant 0 : i32
      %dma_start3A_15 = arith.constant 0 : i32
      %dma_start3A_16 = tpu.memref_slice %arg2[%dma_start3A, %dma_start3A_15] : memref<4096x128xf32, #tpu.memory_space<hbm>> -> memref<4096x128xf32, #tpu.memory_space<hbm>>
      tpu.enqueue_indirect_dma source(%dma_start3A_16 : memref<4096x128xf32, #tpu.memory_space<hbm>>) target(%arg6 : memref<256x128xf32, #tpu.memory_space<vmem>>) offsets(%arg5 : memref<256xi32, #tpu.memory_space<vmem>>) semaphore(%arg7 : memref<!tpu.dma_semaphore, #tpu.memory_space<semaphore_mem>>)
      %dma_wait3A = arith.constant 0 : i32
      %dma_wait3A_17 = arith.constant 0 : i32
      %dma_wait3A_18 = tpu.memref_slice %arg2[%dma_wait3A, %dma_wait3A_17] : memref<4096x128xf32, #tpu.memory_space<hbm>> -> memref<4096x128xf32, #tpu.memory_space<hbm>>
      tpu.wait_indirect_dma semaphore(%arg7 : memref<!tpu.dma_semaphore, #tpu.memory_space<semaphore_mem>>) src(%dma_wait3A_18 : memref<4096x128xf32, #tpu.memory_space<hbm>>) dst(%arg6 : memref<256x128xf32, #tpu.memory_space<vmem>>)
      "tpu.region"() ({
        %run_scoped3A = tpu.sem_alloc : memref<!tpu.dma_semaphore, #tpu.memory_space<semaphore_mem>>
        %dma_start3A_19 = arith.constant 0 : i32
        %dma_start3A_20 = tpu.memref_slice %arg4[%add3A_14, %dma_start3A_19] : memref<24576x128xf32, #tpu.memory_space<hbm>> -> memref<256x128xf32, #tpu.memory_space<hbm>>
        %dma_start3A_21 = arith.constant 0 : i32
        %dma_start3A_22 = tpu.memref_slice %arg4[%add3A_14, %dma_start3A_21] : memref<24576x128xf32, #tpu.memory_space<hbm>> -> memref<256x128xf32, #tpu.memory_space<hbm>>
        tpu.enqueue_dma source(%arg6 : memref<256x128xf32, #tpu.memory_space<vmem>>) target(%dma_start3A_22 : memref<256x128xf32, #tpu.memory_space<hbm>>) target_semaphore(%run_scoped3A : memref<!tpu.dma_semaphore, #tpu.memory_space<semaphore_mem>>)
        %dma_wait3A_23 = arith.constant 0 : i32
        %dma_wait3A_24 = tpu.memref_slice %arg4[%add3A_14, %dma_wait3A_23] : memref<24576x128xf32, #tpu.memory_space<hbm>> -> memref<256x128xf32, #tpu.memory_space<hbm>>
        %dma_wait3A_25 = arith.constant 0 : i32
        %dma_wait3A_26 = tpu.memref_slice %arg4[%add3A_14, %dma_wait3A_25] : memref<24576x128xf32, #tpu.memory_space<hbm>> -> memref<256x128xf32, #tpu.memory_space<hbm>>
        tpu.wait_dma2 semaphore(%run_scoped3A : memref<!tpu.dma_semaphore, #tpu.memory_space<semaphore_mem>>) src(%arg6 : memref<256x128xf32, #tpu.memory_space<vmem>>) dst(%dma_wait3A_26 : memref<256x128xf32, #tpu.memory_space<hbm>>)
        tpu.yield
      }) : () -> ()
    }
    %scan3A_6 = arith.constant 3 : i32
    return
  }
}

#map = affine_map<(d0, d1) -> (0, 0)>
#map1 = affine_map<(d0, d1) -> (0)>
module attributes {stable_mosaic.version = 14 : i64} {
  func.func @k(%arg0: i32, %arg1: i32, %arg2: memref<4096x128xf32, #tpu.memory_space<hbm>>, %arg3: memref<24576xi32, #tpu.memory_space<hbm>>, %arg4: memref<24576x128xf32, #tpu.memory_space<hbm>>, %arg5: memref<256xi32, #tpu.memory_space<vmem>>, %arg6: memref<256x128xf32, #tpu.memory_space<vmem>>, %arg7: memref<!tpu.dma_semaphore, #tpu.memory_space<semaphore_mem>>) attributes {dimension_semantics = [#tpu.dimension_semantics<core_parallel>, #tpu.dimension_semantics<subcore_parallel>], iteration_bounds = array<i64: 2, 16>, scalar_prefetch = 0 : i64, scratch_operands = 3 : i64, tpu.core_type = #tpu.core_type<sc_vector_subcore>, window_params = [{transform_indices = #map}, {transform_indices = #map1}, {transform_indices = #map}]} {
    %mul3A = arith.constant 2 : i32
    %mul3A_0 = arith.muli %arg1, %mul3A : i32
    %add3A = arith.addi %mul3A_0, %arg0 : i32
    %mul3A_1 = arith.constant 768 : i32
    %mul3A_2 = arith.muli %add3A, %mul3A_1 : i32
    %scan3A = arith.constant 0 : i32
    %scan3A_3 = arith.constant 3 : i32
    %scan3A_4 = arith.addi %scan3A, %scan3A_3 : i32
    %scan3A_5 = arith.constant 1 : i32
    scf.for %scan3A_7 = %scan3A to %scan3A_4 step %scan3A_5  : i32 {
      %mul3A_8 = arith.constant 1 : i32
      %mul3A_9 = arith.muli %scan3A_7, %mul3A_8 : i32
      %add3A_10 = arith.constant 0 : i32
      %add3A_11 = arith.addi %add3A_10, %mul3A_9 : i32
      %mul3A_12 = arith.constant 256 : i32
      %mul3A_13 = arith.muli %add3A_11, %mul3A_12 : i32
      %add3A_14 = arith.addi %mul3A_2, %mul3A_13 : i32
      "tpu.region"() ({
        %run_scoped3A = tpu.sem_alloc : memref<!tpu.dma_semaphore, #tpu.memory_space<semaphore_mem>>
        %dma_start3A_19 = tpu.memref_slice %arg3[%add3A_14] : memref<24576xi32, #tpu.memory_space<hbm>> -> memref<256xi32, #tpu.memory_space<hbm>>
        %dma_start3A_20 = tpu.memref_slice %arg3[%add3A_14] : memref<24576xi32, #tpu.memory_space<hbm>> -> memref<256xi32, #tpu.memory_space<hbm>>
        tpu.enqueue_dma source(%dma_start3A_20 : memref<256xi32, #tpu.memory_space<hbm>>) target(%arg5 : memref<256xi32, #tpu.memory_space<vmem>>) target_semaphore(%run_scoped3A : memref<!tpu.dma_semaphore, #tpu.memory_space<semaphore_mem>>)
        %dma_wait3A_21 = tpu.memref_slice %arg3[%add3A_14] : memref<24576xi32, #tpu.memory_space<hbm>> -> memref<256xi32, #tpu.memory_space<hbm>>
        %dma_wait3A_22 = tpu.memref_slice %arg3[%add3A_14] : memref<24576xi32, #tpu.memory_space<hbm>> -> memref<256xi32, #tpu.memory_space<hbm>>
        tpu.wait_dma2 semaphore(%run_scoped3A : memref<!tpu.dma_semaphore, #tpu.memory_space<semaphore_mem>>) src(%dma_wait3A_22 : memref<256xi32, #tpu.memory_space<hbm>>) dst(%arg5 : memref<256xi32, #tpu.memory_space<vmem>>)
        tpu.yield
      }) : () -> ()
      %dma_start3A = arith.constant 0 : i32
      %dma_start3A_15 = arith.constant 0 : i32
      %dma_start3A_16 = tpu.memref_slice %arg2[%dma_start3A, %dma_start3A_15] : memref<4096x128xf32, #tpu.memory_space<hbm>> -> memref<4096x128xf32, #tpu.memory_space<hbm>>
      tpu.enqueue_indirect_dma source(%dma_start3A_16 : memref<4096x128xf32, #tpu.memory_space<hbm>>) target(%arg6 : memref<256x128xf32, #tpu.memory_space<vmem>>) offsets(%arg5 : memref<256xi32, #tpu.memory_space<vmem>>) semaphore(%arg7 : memref<!tpu.dma_semaphore, #tpu.memory_space<semaphore_mem>>)
      %dma_wait3A = arith.constant 0 : i32
      %dma_wait3A_17 = arith.constant 0 : i32
      %dma_wait3A_18 = tpu.memref_slice %arg2[%dma_wait3A, %dma_wait3A_17] : memref<4096x128xf32, #tpu.memory_space<hbm>> -> memref<4096x128xf32, #tpu.memory_space<hbm>>
      tpu.wait_indirect_dma semaphore(%arg7 : memref<!tpu.dma_semaphore, #tpu.memory_space<semaphore_mem>>) src(%dma_wait3A_18 : memref<4096x128xf32, #tpu.memory_space<hbm>>) dst(%arg6 : memref<256x128xf32, #tpu.memory_space<vmem>>)
      "tpu.region"() ({
        %run_scoped3A = tpu.sem_alloc : memref<!tpu.dma_semaphore, #tpu.memory_space<semaphore_mem>>
        %dma_start3A_19 = arith.constant 0 : i32
        %dma_start3A_20 = tpu.memref_slice %arg4[%add3A_14, %dma_start3A_19] : memref<24576x128xf32, #tpu.memory_space<hbm>> -> memref<256x128xf32, #tpu.memory_space<hbm>>
        %dma_start3A_21 = arith.constant 0 : i32
        %dma_start3A_22 = tpu.memref_slice %arg4[%add3A_14, %dma_start3A_21] : memref<24576x128xf32, #tpu.memory_space<hbm>> -> memref<256x128xf32, #tpu.memory_space<hbm>>
        tpu.enqueue_dma source(%arg6 : memref<256x128xf32, #tpu.memory_space<vmem>>) target(%dma_start3A_22 : memref<256x128xf32, #tpu.memory_space<hbm>>) target_semaphore(%run_scoped3A : memref<!tpu.dma_semaphore, #tpu.memory_space<semaphore_mem>>)
        %dma_wait3A_23 = arith.constant 0 : i32
        %dma_wait3A_24 = tpu.memref_slice %arg4[%add3A_14, %dma_wait3A_23] : memref<24576x128xf32, #tpu.memory_space<hbm>> -> memref<256x128xf32, #tpu.memory_space<hbm>>
        %dma_wait3A_25 = arith.constant 0 : i32
        %dma_wait3A_26 = tpu.memref_slice %arg4[%add3A_14, %dma_wait3A_25] : memref<24576x128xf32, #tpu.memory_space<hbm>> -> memref<256x128xf32, #tpu.memory_space<hbm>>
        tpu.wait_dma2 semaphore(%run_scoped3A : memref<!tpu.dma_semaphore, #tpu.memory_space<semaphore_mem>>) src(%arg6 : memref<256x128xf32, #tpu.memory_space<vmem>>) dst(%dma_wait3A_26 : memref<256x128xf32, #tpu.memory_space<hbm>>)
        tpu.yield
      }) : () -> ()
    }
    %scan3A_6 = arith.constant 3 : i32
    return
  }
}

module attributes {stable_mosaic.version = 14 : i64} {
  func.func @_select_kernel(%arg0: i32, %arg1: memref<256x128xf32, #tpu.memory_space<vmem>>, %arg2: memref<128x4096xf32, #tpu.memory_space<vmem>>, %arg3: memref<256x128xi32, #tpu.memory_space<vmem>>, %arg4: memref<256x128xf32, #tpu.memory_space<vmem>>) attributes {dimension_semantics = [#tpu.dimension_semantics<parallel>], iteration_bounds = array<i64: 32>, scalar_prefetch = 0 : i64, scratch_operands = 0 : i64, tpu.core_type = #tpu.core_type<tc>, window_params = [{transform_indices = @transform_0, window_bounds = array<i64: 256, 128>}, {pipeline_mode = #tpu.pipeline_mode<synchronous>, transform_indices = @transform_1, window_bounds = array<i64: 128, 4096>}, {transform_indices = @transform_2, window_bounds = array<i64: 256, 128>}, {transform_indices = @transform_3, window_bounds = array<i64: 256, 128>}]} {
    %get3A = arith.constant 0 : index
    %get3A_0 = arith.constant 0 : index
    %get3A_1 = vector.load %arg1[%get3A, %get3A_0] : memref<256x128xf32, #tpu.memory_space<vmem>>, vector<256x128xf32>
    %get3A_2 = arith.constant 0 : index
    %get3A_3 = arith.constant 0 : index
    %get3A_4 = vector.load %arg2[%get3A_2, %get3A_3] : memref<128x4096xf32, #tpu.memory_space<vmem>>, vector<128x4096xf32>
    %slice3A = vector.extract_strided_slice %get3A_1 {offsets = [0, 0], sizes = [256, 1], strides = [1, 1]} : vector<256x128xf32> to vector<256x1xf32>
    %slice3A_5 = vector.extract_strided_slice %get3A_1 {offsets = [0, 0], sizes = [256, 1], strides = [1, 1]} : vector<256x128xf32> to vector<256x1xf32>
    %mul3A = arith.mulf %slice3A, %slice3A_5 : vector<256x1xf32>
    %slice3A_6 = vector.extract_strided_slice %get3A_1 {offsets = [0, 1], sizes = [256, 1], strides = [1, 1]} : vector<256x128xf32> to vector<256x1xf32>
    %slice3A_7 = vector.extract_strided_slice %get3A_1 {offsets = [0, 1], sizes = [256, 1], strides = [1, 1]} : vector<256x128xf32> to vector<256x1xf32>
    %mul3A_8 = arith.mulf %slice3A_6, %slice3A_7 : vector<256x1xf32>
    %add3A = arith.addf %mul3A, %mul3A_8 : vector<256x1xf32>
    %slice3A_9 = vector.extract_strided_slice %get3A_1 {offsets = [0, 2], sizes = [256, 1], strides = [1, 1]} : vector<256x128xf32> to vector<256x1xf32>
    %slice3A_10 = vector.extract_strided_slice %get3A_1 {offsets = [0, 2], sizes = [256, 1], strides = [1, 1]} : vector<256x128xf32> to vector<256x1xf32>
    %mul3A_11 = arith.mulf %slice3A_9, %slice3A_10 : vector<256x1xf32>
    %add3A_12 = arith.addf %add3A, %mul3A_11 : vector<256x1xf32>
    %slice3A_13 = vector.extract_strided_slice %get3A_4 {offsets = [0, 0], sizes = [1, 4096], strides = [1, 1]} : vector<128x4096xf32> to vector<1x4096xf32>
    %slice3A_14 = vector.extract_strided_slice %get3A_4 {offsets = [0, 0], sizes = [1, 4096], strides = [1, 1]} : vector<128x4096xf32> to vector<1x4096xf32>
    %mul3A_15 = arith.mulf %slice3A_13, %slice3A_14 : vector<1x4096xf32>
    %slice3A_16 = vector.extract_strided_slice %get3A_4 {offsets = [1, 0], sizes = [1, 4096], strides = [1, 1]} : vector<128x4096xf32> to vector<1x4096xf32>
    %slice3A_17 = vector.extract_strided_slice %get3A_4 {offsets = [1, 0], sizes = [1, 4096], strides = [1, 1]} : vector<128x4096xf32> to vector<1x4096xf32>
    %mul3A_18 = arith.mulf %slice3A_16, %slice3A_17 : vector<1x4096xf32>
    %add3A_19 = arith.addf %mul3A_15, %mul3A_18 : vector<1x4096xf32>
    %slice3A_20 = vector.extract_strided_slice %get3A_4 {offsets = [2, 0], sizes = [1, 4096], strides = [1, 1]} : vector<128x4096xf32> to vector<1x4096xf32>
    %slice3A_21 = vector.extract_strided_slice %get3A_4 {offsets = [2, 0], sizes = [1, 4096], strides = [1, 1]} : vector<128x4096xf32> to vector<1x4096xf32>
    %mul3A_22 = arith.mulf %slice3A_20, %slice3A_21 : vector<1x4096xf32>
    %add3A_23 = arith.addf %add3A_19, %mul3A_22 : vector<1x4096xf32>
    %convert_element_type3A = arith.truncf %get3A_1 : vector<256x128xf32> to vector<256x128xbf16>
    %convert_element_type3A_24 = arith.truncf %get3A_4 : vector<128x4096xf32> to vector<128x4096xbf16>
    %dot_general3A = arith.constant dense<0.000000e+00> : vector<256x4096xf32>
    %dot_general3A_25 = tpu.matmul %convert_element_type3A, %convert_element_type3A_24, %dot_general3A {dimension_numbers = #tpu.dot_dimension_numbers<[1], [0], [0], [1], [0, 0, 1, 1], [], []>, transpose_lhs_hint = false} : vector<256x128xbf16>, vector<128x4096xbf16>, vector<256x4096xf32> -> vector<256x4096xf32>
    %add3A_26 = vector.broadcast %add3A_12 : vector<256x1xf32> to vector<256x4096xf32>
    %add3A_27 = vector.broadcast %add3A_23 : vector<1x4096xf32> to vector<256x4096xf32>
    %add3A_28 = arith.addf %add3A_26, %add3A_27 : vector<256x4096xf32>
    %mul3A_29 = arith.constant 2.000000e+00 : f32
    %mul3A_30 = vector.broadcast %mul3A_29 : f32 to vector<256x4096xf32>
    %mul3A_31 = arith.mulf %mul3A_30, %dot_general3A_25 : vector<256x4096xf32>
    %sub3A = arith.subf %add3A_28, %mul3A_31 : vector<256x4096xf32>
    %max3A = arith.constant 0.000000e+00 : f32
    %max3A_32 = vector.broadcast %max3A : f32 to vector<256x4096xf32>
    %max3A_33 = arith.maximumf %sub3A, %max3A_32 : vector<256x4096xf32>
    %iota3A = tpu.iota {dimensions = array<i32: 1>} : vector<256x4096xi32>
    %reduce_min3A = arith.constant dense<0x7F800000> : vector<256xf32>
    %reduce_min3A_34 = vector.multi_reduction <minimumf>, %max3A_33, %reduce_min3A [1] : vector<256x4096xf32> to vector<256xf32>
    %broadcast_in_dim3A = vector.shape_cast %reduce_min3A_34 : vector<256xf32> to vector<256x1xf32>
    %eq3A = vector.broadcast %broadcast_in_dim3A : vector<256x1xf32> to vector<256x4096xf32>
    %eq3A_35 = arith.cmpf oeq, %max3A_33, %eq3A : vector<256x4096xf32>
    %jit3A = arith.constant 4096 : i32
    %broadcast_in_dim3A_36 = vector.broadcast %jit3A : i32 to vector<256x4096xi32>
    %select_n3A = arith.select %eq3A_35, %iota3A, %broadcast_in_dim3A_36 : vector<256x4096xi1>, vector<256x4096xi32>
    %reduce_min3A_37 = arith.constant dense<2147483647> : vector<256xi32>
    %reduce_min3A_38 = vector.multi_reduction <minsi>, %select_n3A, %reduce_min3A_37 [1] : vector<256x4096xi32> to vector<256xi32>
    %broadcast_in_dim3A_39 = vector.shape_cast %reduce_min3A_38 : vector<256xi32> to vector<256x1xi32>
    %add3A_40 = arith.constant 9.99999996E-13 : f32
    %add3A_41 = vector.broadcast %add3A_40 : f32 to vector<256x1xf32>
    %add3A_42 = arith.addf %broadcast_in_dim3A, %add3A_41 : vector<256x1xf32>
    %sqrt3A = math.sqrt %add3A_42 : vector<256x1xf32>
    %add3A_43 = arith.constant 9.99999993E-9 : f32
    %add3A_44 = vector.broadcast %add3A_43 : f32 to vector<256x1xf32>
    %add3A_45 = arith.addf %sqrt3A, %add3A_44 : vector<256x1xf32>
    %div3A = arith.constant 1.000000e+00 : f32
    %div3A_46 = vector.broadcast %div3A : f32 to vector<256x1xf32>
    %div3A_47 = arith.divf %div3A_46, %add3A_45 : vector<256x1xf32>
    %eq3A_48 = vector.broadcast %broadcast_in_dim3A_39 : vector<256x1xi32> to vector<256x4096xi32>
    %eq3A_49 = arith.cmpi eq, %iota3A, %eq3A_48 : vector<256x4096xi32>
    %jit3A_50 = arith.constant 0x7F800000 : f32
    %broadcast_in_dim3A_51 = vector.broadcast %jit3A_50 : f32 to vector<256x4096xf32>
    %select_n3A_52 = arith.select %eq3A_49, %broadcast_in_dim3A_51, %max3A_33 : vector<256x4096xi1>, vector<256x4096xf32>
    %reduce_min3A_53 = arith.constant dense<0x7F800000> : vector<256xf32>
    %reduce_min3A_54 = vector.multi_reduction <minimumf>, %select_n3A_52, %reduce_min3A_53 [1] : vector<256x4096xf32> to vector<256xf32>
    %broadcast_in_dim3A_55 = vector.shape_cast %reduce_min3A_54 : vector<256xf32> to vector<256x1xf32>
    %eq3A_56 = vector.broadcast %broadcast_in_dim3A_55 : vector<256x1xf32> to vector<256x4096xf32>
    %eq3A_57 = arith.cmpf oeq, %select_n3A_52, %eq3A_56 : vector<256x4096xf32>
    %jit3A_58 = arith.constant 4096 : i32
    %broadcast_in_dim3A_59 = vector.broadcast %jit3A_58 : i32 to vector<256x4096xi32>
    %select_n3A_60 = arith.select %eq3A_57, %iota3A, %broadcast_in_dim3A_59 : vector<256x4096xi1>, vector<256x4096xi32>
    %reduce_min3A_61 = arith.constant dense<2147483647> : vector<256xi32>
    %reduce_min3A_62 = vector.multi_reduction <minsi>, %select_n3A_60, %reduce_min3A_61 [1] : vector<256x4096xi32> to vector<256xi32>
    %broadcast_in_dim3A_63 = vector.shape_cast %reduce_min3A_62 : vector<256xi32> to vector<256x1xi32>
    %add3A_64 = arith.constant 9.99999996E-13 : f32
    %add3A_65 = vector.broadcast %add3A_64 : f32 to vector<256x1xf32>
    %add3A_66 = arith.addf %broadcast_in_dim3A_55, %add3A_65 : vector<256x1xf32>
    %sqrt3A_67 = math.sqrt %add3A_66 : vector<256x1xf32>
    %add3A_68 = arith.constant 9.99999993E-9 : f32
    %add3A_69 = vector.broadcast %add3A_68 : f32 to vector<256x1xf32>
    %add3A_70 = arith.addf %sqrt3A_67, %add3A_69 : vector<256x1xf32>
    %div3A_71 = arith.constant 1.000000e+00 : f32
    %div3A_72 = vector.broadcast %div3A_71 : f32 to vector<256x1xf32>
    %div3A_73 = arith.divf %div3A_72, %add3A_70 : vector<256x1xf32>
    %eq3A_74 = vector.broadcast %broadcast_in_dim3A_63 : vector<256x1xi32> to vector<256x4096xi32>
    %eq3A_75 = arith.cmpi eq, %iota3A, %eq3A_74 : vector<256x4096xi32>
    %jit3A_76 = arith.constant 0x7F800000 : f32
    %broadcast_in_dim3A_77 = vector.broadcast %jit3A_76 : f32 to vector<256x4096xf32>
    %select_n3A_78 = arith.select %eq3A_75, %broadcast_in_dim3A_77, %select_n3A_52 : vector<256x4096xi1>, vector<256x4096xf32>
    %reduce_min3A_79 = arith.constant dense<0x7F800000> : vector<256xf32>
    %reduce_min3A_80 = vector.multi_reduction <minimumf>, %select_n3A_78, %reduce_min3A_79 [1] : vector<256x4096xf32> to vector<256xf32>
    %broadcast_in_dim3A_81 = vector.shape_cast %reduce_min3A_80 : vector<256xf32> to vector<256x1xf32>
    %eq3A_82 = vector.broadcast %broadcast_in_dim3A_81 : vector<256x1xf32> to vector<256x4096xf32>
    %eq3A_83 = arith.cmpf oeq, %select_n3A_78, %eq3A_82 : vector<256x4096xf32>
    %jit3A_84 = arith.constant 4096 : i32
    %broadcast_in_dim3A_85 = vector.broadcast %jit3A_84 : i32 to vector<256x4096xi32>
    %select_n3A_86 = arith.select %eq3A_83, %iota3A, %broadcast_in_dim3A_85 : vector<256x4096xi1>, vector<256x4096xi32>
    %reduce_min3A_87 = arith.constant dense<2147483647> : vector<256xi32>
    %reduce_min3A_88 = vector.multi_reduction <minsi>, %select_n3A_86, %reduce_min3A_87 [1] : vector<256x4096xi32> to vector<256xi32>
    %broadcast_in_dim3A_89 = vector.shape_cast %reduce_min3A_88 : vector<256xi32> to vector<256x1xi32>
    %add3A_90 = arith.constant 9.99999996E-13 : f32
    %add3A_91 = vector.broadcast %add3A_90 : f32 to vector<256x1xf32>
    %add3A_92 = arith.addf %broadcast_in_dim3A_81, %add3A_91 : vector<256x1xf32>
    %sqrt3A_93 = math.sqrt %add3A_92 : vector<256x1xf32>
    %add3A_94 = arith.constant 9.99999993E-9 : f32
    %add3A_95 = vector.broadcast %add3A_94 : f32 to vector<256x1xf32>
    %add3A_96 = arith.addf %sqrt3A_93, %add3A_95 : vector<256x1xf32>
    %div3A_97 = arith.constant 1.000000e+00 : f32
    %div3A_98 = vector.broadcast %div3A_97 : f32 to vector<256x1xf32>
    %div3A_99 = arith.divf %div3A_98, %add3A_96 : vector<256x1xf32>
    %add3A_100 = arith.addf %div3A_47, %div3A_73 : vector<256x1xf32>
    %add3A_101 = arith.addf %add3A_100, %div3A_99 : vector<256x1xf32>
    %iota3A_102 = tpu.iota {dimensions = array<i32: 1>} : vector<256x128xi32>
    %eq3A_103 = arith.constant 0 : i32
    %eq3A_104 = vector.broadcast %eq3A_103 : i32 to vector<256x128xi32>
    %eq3A_105 = arith.cmpi eq, %iota3A_102, %eq3A_104 : vector<256x128xi32>
    %eq3A_106 = arith.constant 1 : i32
    %eq3A_107 = vector.broadcast %eq3A_106 : i32 to vector<256x128xi32>
    %eq3A_108 = arith.cmpi eq, %iota3A_102, %eq3A_107 : vector<256x128xi32>
    %eq3A_109 = arith.constant 2 : i32
    %eq3A_110 = vector.broadcast %eq3A_109 : i32 to vector<256x128xi32>
    %eq3A_111 = arith.cmpi eq, %iota3A_102, %eq3A_110 : vector<256x128xi32>
    %jit3A_112 = arith.constant 0 : i32
    %broadcast_in_dim3A_113 = vector.shape_cast %broadcast_in_dim3A_89 : vector<256x1xi32> to vector<256x1xi32>
    %broadcast_in_dim3A_114 = vector.broadcast %broadcast_in_dim3A_113 : vector<256x1xi32> to vector<256x128xi32>
    %broadcast_in_dim3A_115 = vector.broadcast %jit3A_112 : i32 to vector<256x128xi32>
    %select_n3A_116 = arith.select %eq3A_111, %broadcast_in_dim3A_114, %broadcast_in_dim3A_115 : vector<256x128xi1>, vector<256x128xi32>
    %broadcast_in_dim3A_117 = vector.shape_cast %broadcast_in_dim3A_63 : vector<256x1xi32> to vector<256x1xi32>
    %broadcast_in_dim3A_118 = vector.broadcast %broadcast_in_dim3A_117 : vector<256x1xi32> to vector<256x128xi32>
    %select_n3A_119 = arith.select %eq3A_108, %broadcast_in_dim3A_118, %select_n3A_116 : vector<256x128xi1>, vector<256x128xi32>
    %broadcast_in_dim3A_120 = vector.shape_cast %broadcast_in_dim3A_39 : vector<256x1xi32> to vector<256x1xi32>
    %broadcast_in_dim3A_121 = vector.broadcast %broadcast_in_dim3A_120 : vector<256x1xi32> to vector<256x128xi32>
    %select_n3A_122 = arith.select %eq3A_105, %broadcast_in_dim3A_121, %select_n3A_119 : vector<256x128xi1>, vector<256x128xi32>
    %swap3A = arith.constant 0 : index
    %swap3A_123 = arith.constant 0 : index
    %swap3A_124 = vector.load %arg3[%swap3A, %swap3A_123] : memref<256x128xi32, #tpu.memory_space<vmem>>, vector<256x128xi32>
    tpu.vector_store %arg3[%swap3A, %swap3A_123], %select_n3A_122 {strides = array<i32>} : memref<256x128xi32, #tpu.memory_space<vmem>>, vector<256x128xi32>,
    %eq3A_125 = arith.constant 0 : i32
    %eq3A_126 = vector.broadcast %eq3A_125 : i32 to vector<256x128xi32>
    %eq3A_127 = arith.cmpi eq, %iota3A_102, %eq3A_126 : vector<256x128xi32>
    %div3A_128 = arith.divf %div3A_47, %add3A_101 : vector<256x1xf32>
    %eq3A_129 = arith.constant 1 : i32
    %eq3A_130 = vector.broadcast %eq3A_129 : i32 to vector<256x128xi32>
    %eq3A_131 = arith.cmpi eq, %iota3A_102, %eq3A_130 : vector<256x128xi32>
    %div3A_132 = arith.divf %div3A_73, %add3A_101 : vector<256x1xf32>
    %eq3A_133 = arith.constant 2 : i32
    %eq3A_134 = vector.broadcast %eq3A_133 : i32 to vector<256x128xi32>
    %eq3A_135 = arith.cmpi eq, %iota3A_102, %eq3A_134 : vector<256x128xi32>
    %div3A_136 = arith.divf %div3A_99, %add3A_101 : vector<256x1xf32>
    %jit3A_137 = arith.constant 0.000000e+00 : f32
    %broadcast_in_dim3A_138 = vector.shape_cast %div3A_136 : vector<256x1xf32> to vector<256x1xf32>
    %broadcast_in_dim3A_139 = vector.broadcast %broadcast_in_dim3A_138 : vector<256x1xf32> to vector<256x128xf32>
    %broadcast_in_dim3A_140 = vector.broadcast %jit3A_137 : f32 to vector<256x128xf32>
    %select_n3A_141 = arith.select %eq3A_135, %broadcast_in_dim3A_139, %broadcast_in_dim3A_140 : vector<256x128xi1>, vector<256x128xf32>
    %broadcast_in_dim3A_142 = vector.shape_cast %div3A_132 : vector<256x1xf32> to vector<256x1xf32>
    %broadcast_in_dim3A_143 = vector.broadcast %broadcast_in_dim3A_142 : vector<256x1xf32> to vector<256x128xf32>
    %select_n3A_144 = arith.select %eq3A_131, %broadcast_in_dim3A_143, %select_n3A_141 : vector<256x128xi1>, vector<256x128xf32>
    %broadcast_in_dim3A_145 = vector.shape_cast %div3A_128 : vector<256x1xf32> to vector<256x1xf32>
    %broadcast_in_dim3A_146 = vector.broadcast %broadcast_in_dim3A_145 : vector<256x1xf32> to vector<256x128xf32>
    %select_n3A_147 = arith.select %eq3A_127, %broadcast_in_dim3A_146, %select_n3A_144 : vector<256x128xi1>, vector<256x128xf32>
    %swap3A_148 = arith.constant 0 : index
    %swap3A_149 = arith.constant 0 : index
    %swap3A_150 = vector.load %arg4[%swap3A_148, %swap3A_149] : memref<256x128xf32, #tpu.memory_space<vmem>>, vector<256x128xf32>
    tpu.vector_store %arg4[%swap3A_148, %swap3A_149], %select_n3A_147 {strides = array<i32>} : memref<256x128xf32, #tpu.memory_space<vmem>>, vector<256x128xf32>,
    return
  }
  func.func @transform_0(%arg0: i32) -> (i32, i32) {
    %c0_i32 = arith.constant 0 : i32
    %c0_i32_0 = arith.constant 0 : i32
    return %arg0, %c0_i32 : i32, i32
  }
  func.func @transform_1(%arg0: i32) -> (i32, i32) {
    %c0_i32 = arith.constant 0 : i32
    %c0_i32_0 = arith.constant 0 : i32
    %c0_i32_1 = arith.constant 0 : i32
    return %c0_i32, %c0_i32_0 : i32, i32
  }
  func.func @transform_2(%arg0: i32) -> (i32, i32) {
    %c0_i32 = arith.constant 0 : i32
    %c0_i32_0 = arith.constant 0 : i32
    return %arg0, %c0_i32 : i32, i32
  }
  func.func @transform_3(%arg0: i32) -> (i32, i32) {
    %c0_i32 = arith.constant 0 : i32
    %c0_i32_0 = arith.constant 0 : i32
    return %arg0, %c0_i32 : i32, i32
  }
}

module attributes {stable_mosaic.version = 14 : i64} {
  func.func @_combine_kernel(%arg0: i32, %arg1: memref<512x128xf32, #tpu.memory_space<vmem>>, %arg2: memref<512x128xf32, #tpu.memory_space<vmem>>, %arg3: memref<512x128xf32, #tpu.memory_space<vmem>>, %arg4: memref<512x128xf32, #tpu.memory_space<vmem>>, %arg5: memref<512x64xf32, #tpu.memory_space<vmem>>) attributes {dimension_semantics = [#tpu.dimension_semantics<parallel>], iteration_bounds = array<i64: 16>, scalar_prefetch = 0 : i64, scratch_operands = 0 : i64, tpu.core_type = #tpu.core_type<tc>, window_params = [{transform_indices = @transform_0, window_bounds = array<i64: 512, 128>}, {transform_indices = @transform_1, window_bounds = array<i64: 512, 128>}, {transform_indices = @transform_2, window_bounds = array<i64: 512, 128>}, {transform_indices = @transform_3, window_bounds = array<i64: 512, 128>}, {transform_indices = @transform_4, window_bounds = array<i64: 512, 64>}]} {
    %get3A = arith.constant 0 : index
    %get3A_0 = arith.constant 0 : index
    %get3A_1 = vector.load %arg4[%get3A, %get3A_0] : memref<512x128xf32, #tpu.memory_space<vmem>>, vector<512x128xf32>
    %slice3A = vector.extract_strided_slice %get3A_1 {offsets = [0, 0], sizes = [512, 1], strides = [1, 1]} : vector<512x128xf32> to vector<512x1xf32>
    %get3A_2 = arith.constant 0 : index
    %get3A_3 = arith.constant 0 : index
    %get3A_4 = vector.load %arg1[%get3A_2, %get3A_3] : memref<512x128xf32, #tpu.memory_space<vmem>>, vector<512x64xf32>
    %mul3A = vector.broadcast %slice3A : vector<512x1xf32> to vector<512x64xf32>
    %mul3A_5 = arith.mulf %mul3A, %get3A_4 : vector<512x64xf32>
    %slice3A_6 = vector.extract_strided_slice %get3A_1 {offsets = [0, 1], sizes = [512, 1], strides = [1, 1]} : vector<512x128xf32> to vector<512x1xf32>
    %get3A_7 = arith.constant 0 : index
    %get3A_8 = arith.constant 0 : index
    %get3A_9 = vector.load %arg2[%get3A_7, %get3A_8] : memref<512x128xf32, #tpu.memory_space<vmem>>, vector<512x64xf32>
    %mul3A_10 = vector.broadcast %slice3A_6 : vector<512x1xf32> to vector<512x64xf32>
    %mul3A_11 = arith.mulf %mul3A_10, %get3A_9 : vector<512x64xf32>
    %add3A = arith.addf %mul3A_5, %mul3A_11 : vector<512x64xf32>
    %slice3A_12 = vector.extract_strided_slice %get3A_1 {offsets = [0, 2], sizes = [512, 1], strides = [1, 1]} : vector<512x128xf32> to vector<512x1xf32>
    %get3A_13 = arith.constant 0 : index
    %get3A_14 = arith.constant 0 : index
    %get3A_15 = vector.load %arg3[%get3A_13, %get3A_14] : memref<512x128xf32, #tpu.memory_space<vmem>>, vector<512x64xf32>
    %mul3A_16 = vector.broadcast %slice3A_12 : vector<512x1xf32> to vector<512x64xf32>
    %mul3A_17 = arith.mulf %mul3A_16, %get3A_15 : vector<512x64xf32>
    %add3A_18 = arith.addf %add3A, %mul3A_17 : vector<512x64xf32>
    %swap3A = arith.constant 0 : index
    %swap3A_19 = arith.constant 0 : index
    %swap3A_20 = vector.load %arg5[%swap3A, %swap3A_19] : memref<512x64xf32, #tpu.memory_space<vmem>>, vector<512x64xf32>
    tpu.vector_store %arg5[%swap3A, %swap3A_19], %add3A_18 {strides = array<i32>} : memref<512x64xf32, #tpu.memory_space<vmem>>, vector<512x64xf32>,
    return
  }
  func.func @transform_0(%arg0: i32) -> (i32, i32) {
    %c0_i32 = arith.constant 0 : i32
    %c0_i32_0 = arith.constant 0 : i32
    return %arg0, %c0_i32 : i32, i32
  }
  func.func @transform_1(%arg0: i32) -> (i32, i32) {
    %add3A = arith.constant 16 : i32
    %add3A_0 = arith.addi %arg0, %add3A : i32
    %c0_i32 = arith.constant 0 : i32
    %c0_i32_1 = arith.constant 0 : i32
    return %add3A_0, %c0_i32 : i32, i32
  }
  func.func @transform_2(%arg0: i32) -> (i32, i32) {
    %add3A = arith.constant 32 : i32
    %add3A_0 = arith.addi %arg0, %add3A : i32
    %c0_i32 = arith.constant 0 : i32
    %c0_i32_1 = arith.constant 0 : i32
    return %add3A_0, %c0_i32 : i32, i32
  }
  func.func @transform_3(%arg0: i32) -> (i32, i32) {
    %c0_i32 = arith.constant 0 : i32
    %c0_i32_0 = arith.constant 0 : i32
    return %arg0, %c0_i32 : i32, i32
  }
  func.func @transform_4(%arg0: i32) -> (i32, i32) {
    %c0_i32 = arith.constant 0 : i32
    %c0_i32_0 = arith.constant 0 : i32
    return %arg0, %c0_i32 : i32, i32
  }
}

</mosaic_0001>

<sc_bundles>
// kernel: _feat_propagation.11.cloned.1.call-start
scs
__scs_entry_jumppad:
0x0: {  	(pc) =	sbr.rel $0x88, $3  }
0x1: {  	(tag) =	ssettag $0x0;
	lr =	simm.s32 $0x1  }
0x2: {  	[smem:$0x3F9E] =	sst lr;
	_ =	strace $0xD0000000  }
0x3: {  	_ = 	snop  }
0x4: {  	_ = 	snop  }
0x5: {  	_ = 	snop  }
0x6: {  	_ = 	snop  }
0x7: {  	_ = 	snop  }
__scs_overlays_trampoline_lowered:
0x8: {  	[smem:$0x3FAD] =	sst s0  }
0x9: {  	[smem:$0x3FAE] =	sst s1  }
0xa: {  	[smem:$0x3FAF] =	sst s2  }
0xb: {  	[smem:$0x3FB0] =	sst s3  }
0xc: {  	[smem:$0x3FB1] =	sst s4  }
0xd: {  	[smem:$0x3FB2] =	sst s5  }
0xe: {  	[smem:$0x3FB3] =	sst s6  }
0xf: {  	[smem:$0x3FB4] =	sst s7  }
0x10: {  	[smem:$0x3FB5] =	sst s8  }
0x11: {  	[smem:$0x3FB6] =	sst s9;
	s0 =	simm.s32 @!p0 $0x0  }
0x12: {  	s1 =	sld [smem:$0x3F9C];
	s0 =	simm.s32 @p0 $0x1  }
0x13: {  	[smem:$0x3FB7] =	sst s0;
	s0 =	simm.s32 @!p1 $0x0  }
0x14: {  	s2 =	sld [smem:$0x3F9B];
	s0 =	simm.s32 @p1 $0x1  }
0x15: {  	[smem:$0x3FB8] =	sst s0;
	s0 =	simm.s32 @!p2 $0x0  }
0x16: {  	s3 =	sld [smem:$0x3FDB];
	s0 =	simm.s32 @p2 $0x1  }
0x17: {  	s4 =	simm.s32 $0x1BF5;
	[smem:$0x3FBA] =	sst s0  }
0x18: {  	s0 =	sld [smem:$0x3F9D];
	_ =	swait.ge [sflag:s4], $0x0  }
0x19: {  	s7 =	sld [smem:$0x3F9E]  }
0x1a: {  	s8 =	sadd.s32 $0xFFFFE003, lr  }
0x1b: {  	s9 =	sadd.s32 $0xFFFFFEF7, lr;
	s5 =	simm.s32 $0xFFFFFFFF;
	p2 =	slt.u32 s8, $0xFFFFF086  }
0x1c: {  	p1 =	slt.u32 s9, $0xF7A;
	s5 =	simm.s32 @!p2 $0x0  }
0x1d: {  	s5 =	simm.s32 @p1 $0x1;
	p0 =	seq.s32 s7, s2  }
0x1e: {  	s7 =	smul.u32 @!p0 $0xF7A, s2;
	p2 =	seq.s32 @!p0 s5, $0x0  }
0x1f: {  	s9 =	smul.u32 $0xF7A, s1;
	s8 =	simm.s32 @!p0 $0x1BF5;
	p2 =	por !p2, p0  }
0x20: {  	[sflag:s8] =	ssyncset.s32 @!p0 $0xFFFFF086;
	s6 =	sadd.s32 @!p0 s3, s7;
	s7 =	simm.s32 @!p0 $0x108  }
0x21: {  	s3 =	sadd.s32 s3, s9;
	s6 =	sadd.s32 @!p0 $0x88, s6;
	s7 =	simm.s32 @p2 $0x1082  }
0x22: {  	[simem:s7], [sflag:s8] =	dma.local @!p0 [hbm:s6], $0xF7A  }
0x23: {  	s9 =	sor.u32 $0xD0000000, s2;
	s6 =	simm.s32 $0x108;
	_ =	swait.ge @!p0 [sflag:s8], $0x0  }
0x24: {  	s3 =	sadd.s32 $0x88, s3;
	s6 =	simm.s32 @!p1 $0x1082;
	[sflag:s4] =	ssyncset.s32 $0xFFFFF086  }
0x25: {  	[simem:s6], [sflag:s4] =	dma.local [hbm:s3], $0xF7A  }
0x26: {  	[smem:$0x3F9E] =	sst s1;
	(tag) =	ssettag s2;
	_ =	strace s9  }
0x27: {  	s1 =	sld [smem:$0x3FAE]  }
0x28: {  	s2 =	sld [smem:$0x3FAF]  }
0x29: {  	s4 =	sld [smem:$0x3FB1]  }
0x2a: {  	p0 =	seq.s32 s5, $0x0;
	s5 =	sld [smem:$0x3FB2]  }
0x2b: {  	s6 =	sld [smem:$0x3FB3]  }
0x2c: {  	s7 =	sld [smem:$0x3FB4]  }
0x2d: {  	s3 =	simm.s32 $0x108;
	s8 =	sld [smem:$0x3FB5]  }
0x2e: {  	s3 =	simm.s32 @!p0 $0x1082;
	s9 =	sld [smem:$0x3FB6]  }
0x2f: {  	lr =	sadd.s32 s0, s3;
	s0 =	sld [smem:$0x3FAD]  }
0x30: {  	s3 =	sld [smem:$0x3FB0]  }
0x31: {  	[smem:$0x3FB9] =	sst s10  }
0x32: {  	s10 =	sld [smem:$0x3FB7];
	_ =	sdelay $0x3  }
0x33: {  	p0 =	seq.s32 s10, $0x1;
	s10 =	sld [smem:$0x3FB9];
	_ =	sdelay $0x3  }
0x34: {  	[smem:$0x3FB9] =	sst s10  }
0x35: {  	s10 =	sld [smem:$0x3FB8];
	_ =	sdelay $0x3  }
0x36: {  	p1 =	seq.s32 s10, $0x1;
	s10 =	sld [smem:$0x3FB9];
	_ =	sdelay $0x3  }
0x37: {  	[smem:$0x3FB9] =	sst s10  }
0x38: {  	s10 =	sld [smem:$0x3FBA]  }
0x39: {  	_ = 	snop;
	(pc) =	sbr.ind lr, $3  }
0x3a: {  	_ = 	snop  }
0x3b: {  	_ = 	snop  }
0x3c: {  	p2 =	seq.s32 s10, $0x1;
	s10 =	sld [smem:$0x3FB9]  }
0x3d: {  	_ =	shalt  }
0x3e: {  	_ =	shalt  }
0x3f: {  	_ =	shalt  }
0x40: {  	_ =	shalt  }
0x41: {  	_ =	shalt  }
0x42: {  	_ =	shalt  }
0x43: {  	_ =	shalt  }
0x44: {  	_ =	shalt  }
0x45: {  	_ =	shalt  }
0x46: {  	_ =	shalt  }
0x47: {  	_ =	shalt  }
0x48: {  	_ =	shalt  }
0x49: {  	_ =	shalt  }
0x4a: {  	_ =	shalt  }
0x4b: {  	_ =	shalt  }
0x4c: {  	_ =	shalt  }
0x4d: {  	_ =	shalt  }
0x4e: {  	_ =	shalt  }
0x4f: {  	_ =	shalt  }
0x50: {  	_ =	shalt  }
0x51: {  	_ =	shalt  }
0x52: {  	_ =	shalt  }
0x53: {  	_ =	shalt  }
0x54: {  	_ =	shalt  }
0x55: {  	_ =	shalt  }
0x56: {  	_ =	shalt  }
0x57: {  	_ =	shalt  }
0x58: {  	_ =	shalt  }
0x59: {  	_ =	shalt  }
0x5a: {  	_ =	shalt  }
0x5b: {  	_ =	shalt  }
0x5c: {  	_ =	shalt  }
0x5d: {  	_ =	shalt  }
0x5e: {  	_ =	shalt  }
0x5f: {  	_ =	shalt  }
0x60: {  	_ =	shalt  }
0x61: {  	_ =	shalt  }
0x62: {  	_ =	shalt  }
0x63: {  	_ =	shalt  }
0x64: {  	_ =	shalt  }
0x65: {  	_ =	shalt  }
0x66: {  	_ =	shalt  }
0x67: {  	_ =	shalt  }
0x68: {  	_ =	shalt  }
0x69: {  	_ =	shalt  }
0x6a: {  	_ =	shalt  }
0x6b: {  	_ =	shalt  }
0x6c: {  	_ =	shalt  }
0x6d: {  	_ =	shalt  }
0x6e: {  	_ =	shalt  }
0x6f: {  	_ =	shalt  }
0x70: {  	_ =	shalt  }
0x71: {  	_ =	shalt  }
0x72: {  	_ =	shalt  }
0x73: {  	_ =	shalt  }
0x74: {  	_ =	shalt  }
0x75: {  	_ =	shalt  }
0x76: {  	_ =	shalt  }
0x77: {  	_ =	shalt  }
0x78: {  	_ =	shalt  }
0x79: {  	_ =	shalt  }
0x7a: {  	_ =	shalt  }
0x7b: {  	_ =	shalt  }
0x7c: {  	_ =	shalt  }
0x7d: {  	_ =	shalt  }
0x7e: {  	_ =	shalt  }
0x7f: {  	_ =	shalt  }
0x80: {  	_ =	shalt  }
0x81: {  	_ =	shalt  }
0x82: {  	_ =	shalt  }
0x83: {  	_ =	shalt  }
0x84: {  	_ =	shalt  }
0x85: {  	_ =	shalt  }
0x86: {  	_ =	shalt  }
0x87: {  	_ =	shalt  }
.Lfunc_end0:
.L_simem_size_0:
called_computation.1_lowered:
.L_overlay_start_0:
0x88: {  	s2 =	sld [smem:$0x3FD9]  }
0x89: {  	s3 =	sld [smem:$0x3FFE];
	_ =	sdelay $0x1  }
0x8a: {  	s1 =	srdreg.scid  }
0x8b: {  	s0 =	sand.u32 $0x1, s1  }
0x8c: {  	s16 =	sshll.u32 s0, $0xA;
	s2 =	sadd.s32 s3, s2  }
0x8d: {  	s2 =	sadd.s32 s2, s16  }
0x8e: {  	[smem:$0x3FC5] =	sst s2  }
0x8f: {  	_ = 	snop  }
0x90: {  	(tm) =	ssettm $0x1  }
0x91: {  	s17 =	sld [smem:$0x3FFB];
	_ =	sdelay $0x3  }
0x92: {  	_ =	strace s17  }
0x93: {  	s2 =	sld [smem:$0x3FFC];
	_ =	sdelay $0x3  }
0x94: {  	_ =	strace s2  }
0x95: {  	s2 =	sld [smem:$0x3FFD];
	_ =	sdelay $0x3  }
0x96: {  	_ =	strace s2  }
0x97: {  	_ =	strace $0x8FFFFFFF  }
0x98: {  	s18 =	sld [smem:$0x3FDB];
	_ =	sdelay $0x1  }
0x99: {  	s19 =	simm.s32 $_scs_section_size  }
0x9a: {  	s4 =	simm.s32 $_size__tile_overlayer_lowered;
	s5 =	simm.s32 $_tile_overlayer_lowered  }
0x9b: {  	s22 =	simm.s32 $0x1BFF;
	s21 =	sshll.u32 s5, $0x1;
	s2 =	sadd.s32 s19, s18  }
0x9c: {  	s6 =	simm.s32 $0x0;
	s20 =	sshll.u32 s4, $0x1;
	s4 =	sadd.s32 s21, s2  }
0x9d: {  	[timem:s6], [sflag:s22] =	dma.local [hbm:s4], s20  }
0x9e: {  	_ =	swait.ge [sflag:s22], s20  }
0x9f: {  	s3 =	ssub.s32 $0x0, s20;
	[sflag:s22] =	ssyncset.done $0x0  }
0xa0: {  	[sflag:s22] =	ssyncadd.s32 s3;
	_ =	sdelay $0x1  }
0xa1: {  	s23 =	simm.s32 $0x1B8B  }
0xa2: {  	_ =	swait.ge [sflag:s23], $0x1  }
0xa3: {  	[sflag:s23] =	ssyncset.done $0x0  }
0xa4: {  	s25 =	simm.s32 $0x1B8E;
	s24 =	sld [smem:$0x3FFE];
	[sflag:s23] =	ssyncadd.s32 $0xFFFFFFFF  }
0xa5: {  	s26 =	simm.s32 $execute0_lowered;
	[smem:$0x3FD2] =	sst s25  }
0xa6: {  	s4 =	sshll.u32 s26, $0x1;
	_ =	strace $0x80000046;
	[dreg:$0x1] =	wrdreg $0xFFFFFFFF  }
0xa7: {  	s28 =	simm.s32 $_size_execute0_lowered;
	s2 =	sadd.s32 s2, s4;
	[dreg:$0x0] =	wrdreg $0x0  }
0xa8: {  	s4 =	sshll.u32 s28, $0x1;
	[dreg:$0x2] =	wrdreg s2  }
0xa9: {  	[dreg:$0x3] =	wrdreg s4  }
0xaa: {  	[dreg:$0x4] =	wrdreg $0xC0  }
0xab: {  	_ =	task [dreg:s6], $0x5FFFF  }
0xac: {  	[dreg:$0x1] =	wrdreg $0xFFFFFFFF  }
0xad: {  	[dreg:$0x0] =	wrdreg $0x60  }
0xae: {  	[dreg:$0x2] =	wrdreg s24  }
0xaf: {  	[dreg:$0x3] =	wrdreg $0xA  }
0xb0: {  	_ =	task.clear_ibuf [dreg:s6], $0x4FFFF;
	_ =	strace $0x90000046  }
0xb1: {  	s29 =	simm.s32 $0xA;
	_ =	strace $0x80000048  }
0xb2: {  	_ =	swait.ge [sflag:s29], $0x1  }
0xb3: {  	[sflag:s29] =	ssyncadd.s32 $0xFFFFFFFF  }
0xb4: {  	_ =	strace $0x90000048  }
0xb5: {  	_ =	sfence  }
0xb6: {  	s30 =	sld [smem:$0x0];
	_ =	sdelay $0x2  }
0xb7: {  	s31 =	sshll.u32 s1, $0xD;
	s1 =	sshrl.u32 s1, $0x2  }
0xb8: {  	s3 =	sand.u32 $0x4000, s31;
	s1 =	sadd.s32 s1, s30  }
0xb9: {  	s0 =	sor.u32 s3, s0;
	s1 =	sshll.u32 s1, $0x11  }
0xba: {  	s0 =	sor.u32 s1, s0  }
0xbb: {  	s0 =	sadd.s32 $0x8F2B, s0  }
0xbc: {  	[sflag:s0] =	ssyncadd.remote.s32 $0x1  }
0xbd: {  	_ =	sfence.sel $0xFFFF  }
0xbe: {  	[dreg:$0x0] =	wrdreg $0xFFFFFFFF;
	(pc) =	sbr.abs _section_cstart, $3  }
0xbf: {  	[dreg:$0x1] =	wrdreg $0xFFFFFFFF  }
0xc0: {  	_ =	task.clear_ibuf [dreg:s6], $0x2FFFF;
	_ =	strace $0x9FFFFFFF  }
0xc1: {  	(tm) =	ssettm $0x7FFFFFFF  }
tec
execute0_lowered:
.L_overlay_start_1:
0x0: {  	(tag) =	ssettag $0x1  }
0x1: {  	s1 =	srdreg.scid;
	s0 =	stileid.u32  }
0x2: {  	s12 =	sand.u32 $0x1, s1;
	s28 =	sshll.u32 s0, $0x1  }
0x3: {  	s8 =	sor.u32 s12, s28  }
0x4: {  	s9 =	rddreg [dreg:$0x0];
	s11 =	smul.u32 $0x300, s8  }
0x5: {  	s2 =	simm.s32 $0x0;
	s1 =	rddreg [dreg:$0x1]  }
0x6: {  	[smem:$0x7FF] =	sst s2;
	s13 =	sadd.s32 $0x10200, s9;
	s3 =	sshrl.u32 s11, $0x3  }
0x7: {  	_ =	strace $0x80000047;
	s4 =	sadd.s32 s13, s3;
	s3 =	simm.s32 $0x2  }
0x8: {  	[tilespmem:s2], [sflag:$0x2] =	stream.linear.gather [hbm4b:s4+s2], $0x100, $0x38;
	[tilespmem:$0x8100] =	vst v63  }
0x9: {  	_ =	swait.ge [sflag:s3], $0x100  }
0xa: {  	s6 =	simm.s32 $0x100;
	[sflag:s3] =	ssyncset.done $0x0  }
0xb: {  	s7 =	simm.s32 $0x1;
	s5 =	sadd.s32 $0x200, s9;
	[sflag:s3] =	ssyncadd.s32 $0xFFFFFF00  }
0xc: {  	[tilespmem:s6], [sflag:$0x1] =	stream.indirect.gather [hbm4b:s5+s6], $0x80, s2, s6, $0xb8;
	[tilespmem:$0x8100] =	vst v63  }
0xd: {  	s8 =	smul.u32 $0x3000, s8;
	_ =	swait.ge [sflag:s7], $0x8000  }
0xe: {  	s14 =	sadd.s32 $0x10E00, s9;
	[sflag:s7] =	ssyncset.done $0x0  }
0xf: {  	s8 =	sadd.s32 s14, s8;
	[sflag:s7] =	ssyncadd.s32 $0xFFFF8000  }
0x10: {  	[hbm4b:s8+s2] =	stream.linear.scatter [tilespmem:s6], [sflag:$0x2], $0x8000, $0x38;
	[tilespmem:$0x8100] =	vst v63  }
0x11: {  	s10 =	sadd.s32 $0x100, s11;
	_ =	swait.ge [sflag:s3], $0x8000  }
0x12: {  	s29 =	sshrl.u32 s10, $0x3;
	[sflag:s3] =	ssyncset.done $0x0  }
0x13: {  	s9 =	sadd.s32 s13, s29;
	[sflag:s3] =	ssyncadd.s32 $0xFFFF8000  }
0x14: {  	[tilespmem:s2], [sflag:$0x2] =	stream.linear.gather [hbm4b:s9+s2], $0x100, $0x38;
	[tilespmem:$0x8100] =	vst v63  }
0x15: {  	_ =	swait.ge [sflag:s3], $0x100  }
0x16: {  	[sflag:s3] =	ssyncset.done $0x0  }
0x17: {  	[sflag:s3] =	ssyncadd.s32 $0xFFFFFF00  }
0x18: {  	[tilespmem:s6], [sflag:$0x1] =	stream.indirect.gather [hbm4b:s5+s6], $0x80, s2, s6, $0xb8;
	[tilespmem:$0x8100] =	vst v63  }
0x19: {  	_ =	swait.ge [sflag:s7], $0x8000  }
0x1a: {  	s10 =	sshll.u32 s10, $0x4;
	[sflag:s7] =	ssyncset.done $0x0  }
0x1b: {  	s10 =	sadd.s32 s14, s10;
	[sflag:s7] =	ssyncadd.s32 $0xFFFF8000  }
0x1c: {  	[hbm4b:s10+s2] =	stream.linear.scatter [tilespmem:s6], [sflag:$0x2], $0x8000, $0x38;
	[tilespmem:$0x8100] =	vst v63  }
0x1d: {  	s15 =	sadd.s32 $0x200, s11;
	_ =	swait.ge [sflag:s3], $0x8000  }
0x1e: {  	s11 =	sshrl.u32 s15, $0x3;
	[sflag:s3] =	ssyncset.done $0x0  }
0x1f: {  	s12 =	ssub.s32 $0x2, s12;
	s11 =	sadd.s32 s13, s11;
	[sflag:s3] =	ssyncadd.s32 $0xFFFF8000  }
0x20: {  	[tilespmem:s2], [sflag:$0x2] =	stream.linear.gather [hbm4b:s11+s2], $0x100, $0x38;
	[tilespmem:$0x8100] =	vst v63  }
0x21: {  	s30 =	sshrl.u32 s12, $0x1;
	_ =	swait.ge [sflag:s3], $0x100  }
0x22: {  	s13 =	ssub.s32 s12, s30;
	[sflag:s3] =	ssyncset.done $0x0  }
0x23: {  	s13 =	smax.u32 s13, $0x1;
	[sflag:s3] =	ssyncadd.s32 $0xFFFFFF00  }
0x24: {  	[tilespmem:s6], [sflag:$0x1] =	stream.indirect.gather [hbm4b:s5+s6], $0x80, s2, s6, $0xb8;
	[tilespmem:$0x8100] =	vst v63  }
0x25: {  	p0 =	sne.s32 s13, $0x1;
	_ =	swait.ge [sflag:s7], $0x8000  }
.Ltmp0:
0x26: {  	s31 =	sshll.u32 s15, $0x4;
	[sflag:s7] =	ssyncset.done $0x0;
	(pc) =	sbr.rel @!p0 .LBB2_2-.Ltmp0, $4  }
0x27: {  	s12 =	sadd.s32 s14, s31;
	[sflag:s7] =	ssyncadd.s32 $0xFFFF8000  }
0x28: {  	[hbm4b:s12+s2] =	stream.linear.scatter [tilespmem:s6], [sflag:$0x2], $0x8000, $0x38;
	[tilespmem:$0x8100] =	vst v63  }
0x29: {  	_ =	swait.ge [sflag:s3], $0x8000  }
0x2a: {  	s13 =	sadd.s32 $0xFFFFFFFF, s13;
	[sflag:s3] =	ssyncset.done $0x0  }
.LBB2_1:
0x2b: {  	p0 =	sne.s32 s13, $0x1;
	s13 =	sadd.s32 $0xFFFFFFFF, s13;
	[sflag:s3] =	ssyncadd.s32 $0xFFFF8000  }
0x2c: {  	[tilespmem:s2], [sflag:$0x2] =	stream.linear.gather [hbm4b:s4+s2], $0x100, $0x38;
	[tilespmem:$0x8100] =	vst v63  }
0x2d: {  	_ =	swait.ge [sflag:s3], $0x100  }
0x2e: {  	[sflag:s3] =	ssyncset.done $0x0  }
0x2f: {  	[sflag:s3] =	ssyncadd.s32 $0xFFFFFF00  }
0x30: {  	[tilespmem:s6], [sflag:$0x1] =	stream.indirect.gather [hbm4b:s5+s6], $0x80, s2, s6, $0xb8;
	[tilespmem:$0x8100] =	vst v63  }
0x31: {  	_ =	swait.ge [sflag:s7], $0x8000  }
0x32: {  	[sflag:s7] =	ssyncset.done $0x0  }
0x33: {  	[sflag:s7] =	ssyncadd.s32 $0xFFFF8000  }
0x34: {  	[hbm4b:s8+s2] =	stream.linear.scatter [tilespmem:s6], [sflag:$0x2], $0x8000, $0x38;
	[tilespmem:$0x8100] =	vst v63  }
0x35: {  	_ =	swait.ge [sflag:s3], $0x8000  }
0x36: {  	[sflag:s3] =	ssyncset.done $0x0  }
0x37: {  	[sflag:s3] =	ssyncadd.s32 $0xFFFF8000  }
0x38: {  	[tilespmem:s2], [sflag:$0x2] =	stream.linear.gather [hbm4b:s9+s2], $0x100, $0x38;
	[tilespmem:$0x8100] =	vst v63  }
0x39: {  	_ =	swait.ge [sflag:s3], $0x100  }
0x3a: {  	[sflag:s3] =	ssyncset.done $0x0  }
0x3b: {  	[sflag:s3] =	ssyncadd.s32 $0xFFFFFF00  }
0x3c: {  	[tilespmem:s6], [sflag:$0x1] =	stream.indirect.gather [hbm4b:s5+s6], $0x80, s2, s6, $0xb8;
	[tilespmem:$0x8100] =	vst v63  }
0x3d: {  	_ =	swait.ge [sflag:s7], $0x8000  }
0x3e: {  	[sflag:s7] =	ssyncset.done $0x0  }
0x3f: {  	[sflag:s7] =	ssyncadd.s32 $0xFFFF8000  }
0x40: {  	[hbm4b:s10+s2] =	stream.linear.scatter [tilespmem:s6], [sflag:$0x2], $0x8000, $0x38;
	[tilespmem:$0x8100] =	vst v63  }
0x41: {  	_ =	swait.ge [sflag:s3], $0x8000  }
0x42: {  	[sflag:s3] =	ssyncset.done $0x0  }
0x43: {  	[sflag:s3] =	ssyncadd.s32 $0xFFFF8000  }
0x44: {  	[tilespmem:s2], [sflag:$0x2] =	stream.linear.gather [hbm4b:s11+s2], $0x100, $0x38;
	[tilespmem:$0x8100] =	vst v63  }
0x45: {  	_ =	swait.ge [sflag:s3], $0x100  }
0x46: {  	[sflag:s3] =	ssyncset.done $0x0  }
0x47: {  	[sflag:s3] =	ssyncadd.s32 $0xFFFFFF00  }
0x48: {  	[tilespmem:s6], [sflag:$0x1] =	stream.indirect.gather [hbm4b:s5+s6], $0x80, s2, s6, $0xb8;
	[tilespmem:$0x8100] =	vst v63  }
0x49: {  	_ =	swait.ge [sflag:s7], $0x8000  }
.Ltmp1:
0x4a: {  	[sflag:s7] =	ssyncset.done $0x0;
	(pc) =	sbr.rel @p0 .LBB2_1-.Ltmp1, $4  }
0x4b: {  	[sflag:s7] =	ssyncadd.s32 $0xFFFF8000  }
0x4c: {  	[hbm4b:s12+s2] =	stream.linear.scatter [tilespmem:s6], [sflag:$0x2], $0x8000, $0x38;
	[tilespmem:$0x8100] =	vst v63  }
0x4d: {  	_ =	swait.ge [sflag:s3], $0x8000  }
0x4e: {  	[sflag:s3] =	ssyncset.done $0x0  }
.LBB2_2:
0x4f: {  	[sflag:s3] =	ssyncadd.s32 $0xFFFF8000  }
0x50: {  	_ =	sfence.sel $0x180000  }
0x51: {  	[bflag:$0x0] =	sbarrier.arrive $0xFFFF  }
0x52: {  	p0 =	sne.s32 s0, $0x0;
	_ =	strace $0x90000047  }
0x53: {  	s0 =	sadd.s32 @!p0 $0x100000, s1;
	[bflag:$0x2] =	sbarrier.arrive $0xFFFF  }
0x54: {  	[sflag:s0] =	ssyncadd.tile.s32 @!p0 $0x1;
	_ =	shalt  }
.Lfunc_end2:
_tile_overlayer_lowered:
.L_overlay_start_2:
0x55: {  	(tag) =	ssettag $0x2  }
0x56: {  	s0 =	rddreg [dreg:$0x0];
	s2 =	stileid.u32  }
0x57: {  	s1 =	rddreg [dreg:$0x1];
	p0 =	sne.s32 s2, $0x0  }
0x58: {  	s3 =	rddreg [dreg:$0x2];
	[bflag:$0x3] =	sbarrier.arrive $0xFFFF;
	s2 =	simm.s32 @!p0 $0x1C02  }
0x59: {  	[timem:s3], [sflag:s2] =	dma.local @!p0 [hbm:s0], s1  }
0x5a: {  	s0 =	simm.s32 @!p0 $0x2  }
0x5b: {  	_ =	swait.ge @!p0 [sflag:s0], s1  }
0x5c: {  	s1 =	ssub.s32 @!p0 $0x0, s1;
	[sflag:s0] =	ssyncset.done @!p0 $0x0  }
0x5d: {  	[sflag:s0] =	ssyncadd.s32 @!p0 s1  }
0x5e: {  	[bflag:$0x3] =	sbarrier.arrive $0xFFFF  }
0x5f: {  	_ =	shalt  }

// kernel: _feat_propagation.8.cloned.1.call-start
scs
__scs_entry_jumppad:
0x0: {  	(pc) =	sbr.rel $0x88, $3  }
0x1: {  	(tag) =	ssettag $0x0;
	lr =	simm.s32 $0x1  }
0x2: {  	[smem:$0x3F9E] =	sst lr;
	_ =	strace $0xD0000000  }
0x3: {  	_ = 	snop  }
0x4: {  	_ = 	snop  }
0x5: {  	_ = 	snop  }
0x6: {  	_ = 	snop  }
0x7: {  	_ = 	snop  }
__scs_overlays_trampoline_lowered:
0x8: {  	[smem:$0x3FAD] =	sst s0  }
0x9: {  	[smem:$0x3FAE] =	sst s1  }
0xa: {  	[smem:$0x3FAF] =	sst s2  }
0xb: {  	[smem:$0x3FB0] =	sst s3  }
0xc: {  	[smem:$0x3FB1] =	sst s4  }
0xd: {  	[smem:$0x3FB2] =	sst s5  }
0xe: {  	[smem:$0x3FB3] =	sst s6  }
0xf: {  	[smem:$0x3FB4] =	sst s7  }
0x10: {  	[smem:$0x3FB5] =	sst s8  }
0x11: {  	[smem:$0x3FB6] =	sst s9;
	s0 =	simm.s32 @!p0 $0x0  }
0x12: {  	s1 =	sld [smem:$0x3F9C];
	s0 =	simm.s32 @p0 $0x1  }
0x13: {  	[smem:$0x3FB7] =	sst s0;
	s0 =	simm.s32 @!p1 $0x0  }
0x14: {  	s2 =	sld [smem:$0x3F9B];
	s0 =	simm.s32 @p1 $0x1  }
0x15: {  	[smem:$0x3FB8] =	sst s0;
	s0 =	simm.s32 @!p2 $0x0  }
0x16: {  	s3 =	sld [smem:$0x3FDB];
	s0 =	simm.s32 @p2 $0x1  }
0x17: {  	s4 =	simm.s32 $0x1BF5;
	[smem:$0x3FBA] =	sst s0  }
0x18: {  	s0 =	sld [smem:$0x3F9D];
	_ =	swait.ge [sflag:s4], $0x0  }
0x19: {  	s7 =	sld [smem:$0x3F9E]  }
0x1a: {  	s8 =	sadd.s32 $0xFFFFE003, lr  }
0x1b: {  	s9 =	sadd.s32 $0xFFFFFEF7, lr;
	s5 =	simm.s32 $0xFFFFFFFF;
	p2 =	slt.u32 s8, $0xFFFFF086  }
0x1c: {  	p1 =	slt.u32 s9, $0xF7A;
	s5 =	simm.s32 @!p2 $0x0  }
0x1d: {  	s5 =	simm.s32 @p1 $0x1;
	p0 =	seq.s32 s7, s2  }
0x1e: {  	s7 =	smul.u32 @!p0 $0xF7A, s2;
	p2 =	seq.s32 @!p0 s5, $0x0  }
0x1f: {  	s9 =	smul.u32 $0xF7A, s1;
	s8 =	simm.s32 @!p0 $0x1BF5;
	p2 =	por !p2, p0  }
0x20: {  	[sflag:s8] =	ssyncset.s32 @!p0 $0xFFFFF086;
	s6 =	sadd.s32 @!p0 s3, s7;
	s7 =	simm.s32 @!p0 $0x108  }
0x21: {  	s3 =	sadd.s32 s3, s9;
	s6 =	sadd.s32 @!p0 $0x88, s6;
	s7 =	simm.s32 @p2 $0x1082  }
0x22: {  	[simem:s7], [sflag:s8] =	dma.local @!p0 [hbm:s6], $0xF7A  }
0x23: {  	s9 =	sor.u32 $0xD0000000, s2;
	s6 =	simm.s32 $0x108;
	_ =	swait.ge @!p0 [sflag:s8], $0x0  }
0x24: {  	s3 =	sadd.s32 $0x88, s3;
	s6 =	simm.s32 @!p1 $0x1082;
	[sflag:s4] =	ssyncset.s32 $0xFFFFF086  }
0x25: {  	[simem:s6], [sflag:s4] =	dma.local [hbm:s3], $0xF7A  }
0x26: {  	[smem:$0x3F9E] =	sst s1;
	(tag) =	ssettag s2;
	_ =	strace s9  }
0x27: {  	s1 =	sld [smem:$0x3FAE]  }
0x28: {  	s2 =	sld [smem:$0x3FAF]  }
0x29: {  	s4 =	sld [smem:$0x3FB1]  }
0x2a: {  	p0 =	seq.s32 s5, $0x0;
	s5 =	sld [smem:$0x3FB2]  }
0x2b: {  	s6 =	sld [smem:$0x3FB3]  }
0x2c: {  	s7 =	sld [smem:$0x3FB4]  }
0x2d: {  	s3 =	simm.s32 $0x108;
	s8 =	sld [smem:$0x3FB5]  }
0x2e: {  	s3 =	simm.s32 @!p0 $0x1082;
	s9 =	sld [smem:$0x3FB6]  }
0x2f: {  	lr =	sadd.s32 s0, s3;
	s0 =	sld [smem:$0x3FAD]  }
0x30: {  	s3 =	sld [smem:$0x3FB0]  }
0x31: {  	[smem:$0x3FB9] =	sst s10  }
0x32: {  	s10 =	sld [smem:$0x3FB7];
	_ =	sdelay $0x3  }
0x33: {  	p0 =	seq.s32 s10, $0x1;
	s10 =	sld [smem:$0x3FB9];
	_ =	sdelay $0x3  }
0x34: {  	[smem:$0x3FB9] =	sst s10  }
0x35: {  	s10 =	sld [smem:$0x3FB8];
	_ =	sdelay $0x3  }
0x36: {  	p1 =	seq.s32 s10, $0x1;
	s10 =	sld [smem:$0x3FB9];
	_ =	sdelay $0x3  }
0x37: {  	[smem:$0x3FB9] =	sst s10  }
0x38: {  	s10 =	sld [smem:$0x3FBA]  }
0x39: {  	_ = 	snop;
	(pc) =	sbr.ind lr, $3  }
0x3a: {  	_ = 	snop  }
0x3b: {  	_ = 	snop  }
0x3c: {  	p2 =	seq.s32 s10, $0x1;
	s10 =	sld [smem:$0x3FB9]  }
0x3d: {  	_ =	shalt  }
0x3e: {  	_ =	shalt  }
0x3f: {  	_ =	shalt  }
0x40: {  	_ =	shalt  }
0x41: {  	_ =	shalt  }
0x42: {  	_ =	shalt  }
0x43: {  	_ =	shalt  }
0x44: {  	_ =	shalt  }
0x45: {  	_ =	shalt  }
0x46: {  	_ =	shalt  }
0x47: {  	_ =	shalt  }
0x48: {  	_ =	shalt  }
0x49: {  	_ =	shalt  }
0x4a: {  	_ =	shalt  }
0x4b: {  	_ =	shalt  }
0x4c: {  	_ =	shalt  }
0x4d: {  	_ =	shalt  }
0x4e: {  	_ =	shalt  }
0x4f: {  	_ =	shalt  }
0x50: {  	_ =	shalt  }
0x51: {  	_ =	shalt  }
0x52: {  	_ =	shalt  }
0x53: {  	_ =	shalt  }
0x54: {  	_ =	shalt  }
0x55: {  	_ =	shalt  }
0x56: {  	_ =	shalt  }
0x57: {  	_ =	shalt  }
0x58: {  	_ =	shalt  }
0x59: {  	_ =	shalt  }
0x5a: {  	_ =	shalt  }
0x5b: {  	_ =	shalt  }
0x5c: {  	_ =	shalt  }
0x5d: {  	_ =	shalt  }
0x5e: {  	_ =	shalt  }
0x5f: {  	_ =	shalt  }
0x60: {  	_ =	shalt  }
0x61: {  	_ =	shalt  }
0x62: {  	_ =	shalt  }
0x63: {  	_ =	shalt  }
0x64: {  	_ =	shalt  }
0x65: {  	_ =	shalt  }
0x66: {  	_ =	shalt  }
0x67: {  	_ =	shalt  }
0x68: {  	_ =	shalt  }
0x69: {  	_ =	shalt  }
0x6a: {  	_ =	shalt  }
0x6b: {  	_ =	shalt  }
0x6c: {  	_ =	shalt  }
0x6d: {  	_ =	shalt  }
0x6e: {  	_ =	shalt  }
0x6f: {  	_ =	shalt  }
0x70: {  	_ =	shalt  }
0x71: {  	_ =	shalt  }
0x72: {  	_ =	shalt  }
0x73: {  	_ =	shalt  }
0x74: {  	_ =	shalt  }
0x75: {  	_ =	shalt  }
0x76: {  	_ =	shalt  }
0x77: {  	_ =	shalt  }
0x78: {  	_ =	shalt  }
0x79: {  	_ =	shalt  }
0x7a: {  	_ =	shalt  }
0x7b: {  	_ =	shalt  }
0x7c: {  	_ =	shalt  }
0x7d: {  	_ =	shalt  }
0x7e: {  	_ =	shalt  }
0x7f: {  	_ =	shalt  }
0x80: {  	_ =	shalt  }
0x81: {  	_ =	shalt  }
0x82: {  	_ =	shalt  }
0x83: {  	_ =	shalt  }
0x84: {  	_ =	shalt  }
0x85: {  	_ =	shalt  }
0x86: {  	_ =	shalt  }
0x87: {  	_ =	shalt  }
.Lfunc_end0:
.L_simem_size_0:
called_computation_lowered:
.L_overlay_start_0:
0x88: {  	s2 =	sld [smem:$0x3FD9]  }
0x89: {  	s3 =	sld [smem:$0x3FFE];
	_ =	sdelay $0x1  }
0x8a: {  	s1 =	srdreg.scid  }
0x8b: {  	s0 =	sand.u32 $0x1, s1  }
0x8c: {  	s17 =	sshll.u32 s0, $0xA;
	s2 =	sadd.s32 s3, s2  }
0x8d: {  	s2 =	sadd.s32 s2, s17  }
0x8e: {  	[smem:$0x3FC5] =	sst s2  }
0x8f: {  	_ = 	snop  }
0x90: {  	(tm) =	ssettm $0x1  }
0x91: {  	s18 =	sld [smem:$0x3FFB];
	_ =	sdelay $0x3  }
0x92: {  	_ =	strace s18  }
0x93: {  	s2 =	sld [smem:$0x3FFC];
	_ =	sdelay $0x3  }
0x94: {  	_ =	strace s2  }
0x95: {  	s2 =	sld [smem:$0x3FFD];
	_ =	sdelay $0x3  }
0x96: {  	_ =	strace s2  }
0x97: {  	_ =	strace $0x8FFFFFFF  }
0x98: {  	s19 =	sld [smem:$0x3FDB];
	_ =	sdelay $0x1  }
0x99: {  	s20 =	simm.s32 $_scs_section_size  }
0x9a: {  	s4 =	simm.s32 $_size__tile_overlayer_lowered;
	s5 =	simm.s32 $_tile_overlayer_lowered  }
0x9b: {  	s6 =	simm.s32 $0x1BFF;
	s21 =	sshll.u32 s5, $0x1;
	s3 =	sadd.s32 s20, s19  }
0x9c: {  	s22 =	simm.s32 $0x0;
	s4 =	sshll.u32 s4, $0x1;
	s5 =	sadd.s32 s21, s3  }
0x9d: {  	[timem:s22], [sflag:s6] =	dma.local [hbm:s5], s4  }
0x9e: {  	_ =	swait.ge [sflag:s6], s4  }
0x9f: {  	s4 =	ssub.s32 $0x0, s4;
	[sflag:s6] =	ssyncset.done $0x0  }
0xa0: {  	[sflag:s6] =	ssyncadd.s32 s4;
	_ =	sdelay $0x1  }
0xa1: {  	s23 =	simm.s32 $0x1B8B  }
0xa2: {  	_ =	swait.ge [sflag:s23], $0x1  }
0xa3: {  	[sflag:s23] =	ssyncset.done $0x0  }
0xa4: {  	[sflag:s23] =	ssyncadd.s32 $0xFFFFFFFF  }
0xa5: {  	s4 =	sld [smem:$0x0]  }
0xa6: {  	s5 =	sand.u32 $0xFFFFFFFE, s1  }
0xa7: {  	p0 =	sne.s32 s1, s5  }
0xa8: {  	s5 =	sshll.u32 @p0 s5, $0xE  }
0xa9: {  	s5 =	sadd.s32 @p0 $0x11B8D, s5;
	s6 =	sshll.u32 @p0 s4, $0x11  }
0xaa: {  	s5 =	sor.u32 @p0 s6, s5  }
0xab: {  	[sflag:s5] =	ssyncadd.remote.s32 @p0 $0x1;
	_ =	sdelay $0x1  }
0xac: {  	s5 =	simm.s32 @p0 $0x1B8D  }
0xad: {  	_ =	swait.eq @p0 [sflag:s5], $0x1  }
0xae: {  	[sflag:s5] =	ssyncadd.s32 @p0 $0xFFFFFFFF  }
0xaf: {  	s6 =	sshll.u32 @!p0 s1, $0xE  }
0xb0: {  	s6 =	sor.u32 @!p0 $0x4000, s6;
	s5 =	simm.s32 @!p0 $0x1B8D  }
0xb1: {  	s4 =	sshll.u32 @!p0 s4, $0x11;
	s6 =	sadd.s32 @!p0 $0x11B8D, s6;
	_ =	swait.eq @!p0 [sflag:s5], $0x1  }
0xb2: {  	s4 =	sor.u32 @!p0 s4, s6;
	[sflag:s5] =	ssyncadd.s32 @!p0 $0xFFFFFFFF  }
0xb3: {  	s25 =	simm.s32 $0x1B8E;
	s24 =	sld [smem:$0x3FFE];
	[sflag:s4] =	ssyncadd.remote.s32 @!p0 $0x1  }
0xb4: {  	s26 =	simm.s32 $execute0_lowered;
	[smem:$0x3FD2] =	sst s25  }
0xb5: {  	s5 =	sshll.u32 s26, $0x1;
	_ =	strace $0x80000049;
	[dreg:$0x1] =	wrdreg $0xFFFFFFFF  }
0xb6: {  	s28 =	simm.s32 $_size_execute0_lowered;
	s3 =	sadd.s32 s3, s5;
	[dreg:$0x0] =	wrdreg $0x0  }
0xb7: {  	s5 =	sshll.u32 s28, $0x1;
	[dreg:$0x2] =	wrdreg s3  }
0xb8: {  	[dreg:$0x3] =	wrdreg s5  }
0xb9: {  	[dreg:$0x4] =	wrdreg $0xC0  }
0xba: {  	_ =	task [dreg:s22], $0x5FFFF  }
0xbb: {  	[dreg:$0x1] =	wrdreg $0xFFFFFFFF  }
0xbc: {  	[dreg:$0x0] =	wrdreg $0x60  }
0xbd: {  	[dreg:$0x2] =	wrdreg s24  }
0xbe: {  	[dreg:$0x3] =	wrdreg $0x9  }
0xbf: {  	_ =	task.clear_ibuf [dreg:s22], $0x4FFFF;
	_ =	strace $0x90000049  }
0xc0: {  	s29 =	simm.s32 $0x9;
	_ =	strace $0x8000004B  }
0xc1: {  	_ =	swait.ge [sflag:s29], $0x1  }
0xc2: {  	[sflag:s29] =	ssyncadd.s32 $0xFFFFFFFF  }
0xc3: {  	_ =	strace $0x9000004B  }
0xc4: {  	_ =	sfence  }
0xc5: {  	s30 =	sld [smem:$0x0];
	_ =	sdelay $0x2  }
0xc6: {  	s31 =	sshll.u32 s1, $0xD;
	s1 =	sshrl.u32 s1, $0x2  }
0xc7: {  	s4 =	sand.u32 $0x4000, s31;
	s1 =	sadd.s32 s1, s30  }
0xc8: {  	s0 =	sor.u32 s4, s0;
	s1 =	sshll.u32 s1, $0x11  }
0xc9: {  	s0 =	sor.u32 s1, s0  }
0xca: {  	s0 =	sadd.s32 $0x8F2B, s0  }
0xcb: {  	[sflag:s0] =	ssyncadd.remote.s32 $0x1  }
0xcc: {  	_ =	sfence.sel $0xFFFF  }
0xcd: {  	[dreg:$0x0] =	wrdreg $0xFFFFFFFF;
	(pc) =	sbr.abs _section_cstart, $3  }
0xce: {  	[dreg:$0x1] =	wrdreg $0xFFFFFFFF  }
0xcf: {  	_ =	task.clear_ibuf [dreg:s22], $0x2FFFF;
	_ =	strace $0x9FFFFFFF  }
0xd0: {  	(tm) =	ssettm $0x7FFFFFFF  }
0xd1: {  	_ =	shalt  }
tec
execute0_lowered:
.L_overlay_start_1:
0x0: {  	(tag) =	ssettag $0x1  }
0x1: {  	s1 =	srdreg.scid;
	s0 =	stileid.u32  }
0x2: {  	s12 =	sand.u32 $0x1, s1;
	s28 =	sshll.u32 s0, $0x1  }
0x3: {  	s8 =	sor.u32 s12, s28  }
0x4: {  	s9 =	rddreg [dreg:$0x0];
	s11 =	smul.u32 $0x300, s8  }
0x5: {  	s2 =	simm.s32 $0x0;
	s1 =	rddreg [dreg:$0x1]  }
0x6: {  	[smem:$0x7FF] =	sst s2;
	s13 =	sadd.s32 $0x70E00, s9;
	s3 =	sshrl.u32 s11, $0x3  }
0x7: {  	_ =	strace $0x8000004A;
	s4 =	sadd.s32 s13, s3;
	s3 =	simm.s32 $0x2  }
0x8: {  	[tilespmem:s2], [sflag:$0x2] =	stream.linear.gather [hbm4b:s4+s2], $0x100, $0x38;
	[tilespmem:$0x8100] =	vst v63  }
0x9: {  	_ =	swait.ge [sflag:s3], $0x100  }
0xa: {  	s6 =	simm.s32 $0x100;
	[sflag:s3] =	ssyncset.done $0x0  }
0xb: {  	s7 =	simm.s32 $0x1;
	s5 =	sadd.s32 $0x200, s9;
	[sflag:s3] =	ssyncadd.s32 $0xFFFFFF00  }
0xc: {  	[tilespmem:s6], [sflag:$0x1] =	stream.indirect.gather [hbm4b:s5+s6], $0x80, s2, s6, $0xb8;
	[tilespmem:$0x8100] =	vst v63  }
0xd: {  	s8 =	smul.u32 $0x3000, s8;
	_ =	swait.ge [sflag:s7], $0x8000  }
0xe: {  	s14 =	sadd.s32 $0x71A00, s9;
	[sflag:s7] =	ssyncset.done $0x0  }
0xf: {  	s8 =	sadd.s32 s14, s8;
	[sflag:s7] =	ssyncadd.s32 $0xFFFF8000  }
0x10: {  	[hbm4b:s8+s2] =	stream.linear.scatter [tilespmem:s6], [sflag:$0x2], $0x8000, $0x38;
	[tilespmem:$0x8100] =	vst v63  }
0x11: {  	s10 =	sadd.s32 $0x100, s11;
	_ =	swait.ge [sflag:s3], $0x8000  }
0x12: {  	s29 =	sshrl.u32 s10, $0x3;
	[sflag:s3] =	ssyncset.done $0x0  }
0x13: {  	s9 =	sadd.s32 s13, s29;
	[sflag:s3] =	ssyncadd.s32 $0xFFFF8000  }
0x14: {  	[tilespmem:s2], [sflag:$0x2] =	stream.linear.gather [hbm4b:s9+s2], $0x100, $0x38;
	[tilespmem:$0x8100] =	vst v63  }
0x15: {  	_ =	swait.ge [sflag:s3], $0x100  }
0x16: {  	[sflag:s3] =	ssyncset.done $0x0  }
0x17: {  	[sflag:s3] =	ssyncadd.s32 $0xFFFFFF00  }
0x18: {  	[tilespmem:s6], [sflag:$0x1] =	stream.indirect.gather [hbm4b:s5+s6], $0x80, s2, s6, $0xb8;
	[tilespmem:$0x8100] =	vst v63  }
0x19: {  	_ =	swait.ge [sflag:s7], $0x8000  }
0x1a: {  	s10 =	sshll.u32 s10, $0x4;
	[sflag:s7] =	ssyncset.done $0x0  }
0x1b: {  	s10 =	sadd.s32 s14, s10;
	[sflag:s7] =	ssyncadd.s32 $0xFFFF8000  }
0x1c: {  	[hbm4b:s10+s2] =	stream.linear.scatter [tilespmem:s6], [sflag:$0x2], $0x8000, $0x38;
	[tilespmem:$0x8100] =	vst v63  }
0x1d: {  	s15 =	sadd.s32 $0x200, s11;
	_ =	swait.ge [sflag:s3], $0x8000  }
0x1e: {  	s11 =	sshrl.u32 s15, $0x3;
	[sflag:s3] =	ssyncset.done $0x0  }
0x1f: {  	s12 =	ssub.s32 $0x2, s12;
	s11 =	sadd.s32 s13, s11;
	[sflag:s3] =	ssyncadd.s32 $0xFFFF8000  }
0x20: {  	[tilespmem:s2], [sflag:$0x2] =	stream.linear.gather [hbm4b:s11+s2], $0x100, $0x38;
	[tilespmem:$0x8100] =	vst v63  }
0x21: {  	s30 =	sshrl.u32 s12, $0x1;
	_ =	swait.ge [sflag:s3], $0x100  }
0x22: {  	s13 =	ssub.s32 s12, s30;
	[sflag:s3] =	ssyncset.done $0x0  }
0x23: {  	s13 =	smax.u32 s13, $0x1;
	[sflag:s3] =	ssyncadd.s32 $0xFFFFFF00  }
0x24: {  	[tilespmem:s6], [sflag:$0x1] =	stream.indirect.gather [hbm4b:s5+s6], $0x80, s2, s6, $0xb8;
	[tilespmem:$0x8100] =	vst v63  }
0x25: {  	p0 =	sne.s32 s13, $0x1;
	_ =	swait.ge [sflag:s7], $0x8000  }
.Ltmp0:
0x26: {  	s31 =	sshll.u32 s15, $0x4;
	[sflag:s7] =	ssyncset.done $0x0;
	(pc) =	sbr.rel @!p0 .LBB2_2-.Ltmp0, $4  }
0x27: {  	s12 =	sadd.s32 s14, s31;
	[sflag:s7] =	ssyncadd.s32 $0xFFFF8000  }
0x28: {  	[hbm4b:s12+s2] =	stream.linear.scatter [tilespmem:s6], [sflag:$0x2], $0x8000, $0x38;
	[tilespmem:$0x8100] =	vst v63  }
0x29: {  	_ =	swait.ge [sflag:s3], $0x8000  }
0x2a: {  	s13 =	sadd.s32 $0xFFFFFFFF, s13;
	[sflag:s3] =	ssyncset.done $0x0  }
.LBB2_1:
0x2b: {  	p0 =	sne.s32 s13, $0x1;
	s13 =	sadd.s32 $0xFFFFFFFF, s13;
	[sflag:s3] =	ssyncadd.s32 $0xFFFF8000  }
0x2c: {  	[tilespmem:s2], [sflag:$0x2] =	stream.linear.gather [hbm4b:s4+s2], $0x100, $0x38;
	[tilespmem:$0x8100] =	vst v63  }
0x2d: {  	_ =	swait.ge [sflag:s3], $0x100  }
0x2e: {  	[sflag:s3] =	ssyncset.done $0x0  }
0x2f: {  	[sflag:s3] =	ssyncadd.s32 $0xFFFFFF00  }
0x30: {  	[tilespmem:s6], [sflag:$0x1] =	stream.indirect.gather [hbm4b:s5+s6], $0x80, s2, s6, $0xb8;
	[tilespmem:$0x8100] =	vst v63  }
0x31: {  	_ =	swait.ge [sflag:s7], $0x8000  }
0x32: {  	[sflag:s7] =	ssyncset.done $0x0  }
0x33: {  	[sflag:s7] =	ssyncadd.s32 $0xFFFF8000  }
0x34: {  	[hbm4b:s8+s2] =	stream.linear.scatter [tilespmem:s6], [sflag:$0x2], $0x8000, $0x38;
	[tilespmem:$0x8100] =	vst v63  }
0x35: {  	_ =	swait.ge [sflag:s3], $0x8000  }
0x36: {  	[sflag:s3] =	ssyncset.done $0x0  }
0x37: {  	[sflag:s3] =	ssyncadd.s32 $0xFFFF8000  }
0x38: {  	[tilespmem:s2], [sflag:$0x2] =	stream.linear.gather [hbm4b:s9+s2], $0x100, $0x38;
	[tilespmem:$0x8100] =	vst v63  }
0x39: {  	_ =	swait.ge [sflag:s3], $0x100  }
0x3a: {  	[sflag:s3] =	ssyncset.done $0x0  }
0x3b: {  	[sflag:s3] =	ssyncadd.s32 $0xFFFFFF00  }
0x3c: {  	[tilespmem:s6], [sflag:$0x1] =	stream.indirect.gather [hbm4b:s5+s6], $0x80, s2, s6, $0xb8;
	[tilespmem:$0x8100] =	vst v63  }
0x3d: {  	_ =	swait.ge [sflag:s7], $0x8000  }
0x3e: {  	[sflag:s7] =	ssyncset.done $0x0  }
0x3f: {  	[sflag:s7] =	ssyncadd.s32 $0xFFFF8000  }
0x40: {  	[hbm4b:s10+s2] =	stream.linear.scatter [tilespmem:s6], [sflag:$0x2], $0x8000, $0x38;
	[tilespmem:$0x8100] =	vst v63  }
0x41: {  	_ =	swait.ge [sflag:s3], $0x8000  }
0x42: {  	[sflag:s3] =	ssyncset.done $0x0  }
0x43: {  	[sflag:s3] =	ssyncadd.s32 $0xFFFF8000  }
0x44: {  	[tilespmem:s2], [sflag:$0x2] =	stream.linear.gather [hbm4b:s11+s2], $0x100, $0x38;
	[tilespmem:$0x8100] =	vst v63  }
0x45: {  	_ =	swait.ge [sflag:s3], $0x100  }
0x46: {  	[sflag:s3] =	ssyncset.done $0x0  }
0x47: {  	[sflag:s3] =	ssyncadd.s32 $0xFFFFFF00  }
0x48: {  	[tilespmem:s6], [sflag:$0x1] =	stream.indirect.gather [hbm4b:s5+s6], $0x80, s2, s6, $0xb8;
	[tilespmem:$0x8100] =	vst v63  }
0x49: {  	_ =	swait.ge [sflag:s7], $0x8000  }
.Ltmp1:
0x4a: {  	[sflag:s7] =	ssyncset.done $0x0;
	(pc) =	sbr.rel @p0 .LBB2_1-.Ltmp1, $4  }
0x4b: {  	[sflag:s7] =	ssyncadd.s32 $0xFFFF8000  }
0x4c: {  	[hbm4b:s12+s2] =	stream.linear.scatter [tilespmem:s6], [sflag:$0x2], $0x8000, $0x38;
	[tilespmem:$0x8100] =	vst v63  }
0x4d: {  	_ =	swait.ge [sflag:s3], $0x8000  }
0x4e: {  	[sflag:s3] =	ssyncset.done $0x0  }
.LBB2_2:
0x4f: {  	[sflag:s3] =	ssyncadd.s32 $0xFFFF8000  }
0x50: {  	_ =	sfence.sel $0x180000  }
0x51: {  	[bflag:$0x0] =	sbarrier.arrive $0xFFFF  }
0x52: {  	p0 =	sne.s32 s0, $0x0;
	_ =	strace $0x9000004A  }
0x53: {  	s0 =	sadd.s32 @!p0 $0x100000, s1;
	[bflag:$0x2] =	sbarrier.arrive $0xFFFF  }
0x54: {  	[sflag:s0] =	ssyncadd.tile.s32 @!p0 $0x1;
	_ =	shalt  }
.Lfunc_end2:
_tile_overlayer_lowered:
.L_overlay_start_2:
0x55: {  	(tag) =	ssettag $0x2  }
0x56: {  	s0 =	rddreg [dreg:$0x0];
	s2 =	stileid.u32  }
0x57: {  	s1 =	rddreg [dreg:$0x1];
	p0 =	sne.s32 s2, $0x0  }
0x58: {  	s3 =	rddreg [dreg:$0x2];
	[bflag:$0x3] =	sbarrier.arrive $0xFFFF;
	s2 =	simm.s32 @!p0 $0x1C02  }
0x59: {  	[timem:s3], [sflag:s2] =	dma.local @!p0 [hbm:s0], s1  }
0x5a: {  	s0 =	simm.s32 @!p0 $0x2  }
0x5b: {  	_ =	swait.ge @!p0 [sflag:s0], s1  }
0x5c: {  	s1 =	ssub.s32 @!p0 $0x0, s1;
	[sflag:s0] =	ssyncset.done @!p0 $0x0  }
0x5d: {  	[sflag:s0] =	ssyncadd.s32 @!p0 s1  }
0x5e: {  	[bflag:$0x3] =	sbarrier.arrive $0xFFFF  }
0x5f: {  	_ =	shalt  }

</sc_bundles>
